<compile_context>
chip_gen: v7x
topology: tpu7x:2x2x1
jax: 0.10.2.dev20260603
libtpu: 0.0.44.dev20260713+nightly
codegen_flags: <defaults>
</compile_context>

<pallas_src>
import functools

import jax
import jax.numpy as jnp
from jax import lax
from jax.experimental import pallas as pl
from jax.experimental.pallas import tpu as pltpu
from jax.experimental.pallas import tpu_sc as plsc

NC = 2
NS = 16
NW = NC * NS
CHUNK = 128
_C0_FRAC = 0.60


def _spmm_partials(h, idx, zeros, n_pad, q0, q1):
    n, d = h.shape
    rows_per_tile = n_pad // NS
    q_max = max(q0, q1)

    mesh = plsc.VectorSubcoreMesh(core_axis_name="c", subcore_axis_name="s")

    @functools.partial(
        pl.kernel,
        out_type=jax.ShapeDtypeStruct((NC, n_pad, d), jnp.float32),
        mesh=mesh,
        scratch_types=[
            pltpu.VMEM((2 * CHUNK,), jnp.int32),
            pltpu.VMEM((CHUNK, d), jnp.float32),
            pltpu.VMEM_SHARED((n_pad, d), jnp.float32),
        ],
    )
    def k(h_hbm, idx_hbm, zeros_hbm, out_hbm, idxb, rows, agg):
        c = lax.axis_index("c")
        s = lax.axis_index("s")
        n_chunks = lax.select(c == 0, q0, q1)
        chunk_base = c * (NS * q0) + s * n_chunks
        pltpu.sync_copy(zeros_hbm, agg.at[pl.ds(s * rows_per_tile,
                                                rows_per_tile)])
        plsc.subcore_barrier()

        def body(i, carry):
            @pl.when(i < n_chunks)
            def _():
                pltpu.sync_copy(
                    idx_hbm.at[pl.ds((chunk_base + i) * 2 * CHUNK,
                                     2 * CHUNK)], idxb)
                pltpu.sync_copy(h_hbm.at[idxb.at[pl.ds(0, CHUNK)]], rows)
                pltpu.sync_copy(rows, agg.at[idxb.at[pl.ds(CHUNK, CHUNK)]],
                                add=True)
            return carry

        lax.fori_loop(0, q_max, body, 0)
        plsc.subcore_barrier()
        pltpu.sync_copy(
            agg.at[pl.ds(s * rows_per_tile, rows_per_tile)],
            out_hbm.at[c].at[pl.ds(s * rows_per_tile, rows_per_tile)])

    return k(h, idx, zeros)


_ROWS = 1000


def _dense_in(x, w, b):
    n, d = x.shape

    def body(x_ref, w_ref, b_ref, o_ref):
        acc = lax.dot_general(x_ref[...], w_ref[...],
                              (((1,), (1,)), ((), ())),
                              preferred_element_type=jnp.float32)
        o_ref[...] = jnp.maximum(acc + b_ref[...], 0.0)

    return pl.pallas_call(
        body,
        grid=(n // _ROWS,),
        in_specs=[
            pl.BlockSpec((_ROWS, d), lambda i: (i, 0)),
            pl.BlockSpec((d, d), lambda i: (0, 0)),
            pl.BlockSpec((1, d), lambda i: (0, 0)),
        ],
        out_specs=pl.BlockSpec((_ROWS, d), lambda i: (i, 0)),
        out_shape=jax.ShapeDtypeStruct((n, d), jnp.float32),
    )(x, w, b.reshape(1, d))


def _dense_layer(p, h, wrel, brel, wroot):
    n, d = h.shape

    def body(p_ref, h_ref, wrel_ref, brel_ref, wroot_ref, o_ref):
        agg = p_ref[0] + p_ref[1]
        acc = lax.dot_general(agg, wrel_ref[...], (((1,), (1,)), ((), ())),
                              preferred_element_type=jnp.float32)
        acc += lax.dot_general(h_ref[...], wroot_ref[...],
                               (((1,), (1,)), ((), ())),
                               preferred_element_type=jnp.float32)
        o_ref[...] = jnp.maximum(acc + brel_ref[...], 0.0)

    return pl.pallas_call(
        body,
        grid=(n // _ROWS,),
        in_specs=[
            pl.BlockSpec((2, _ROWS, d), lambda i: (0, i, 0)),
            pl.BlockSpec((_ROWS, d), lambda i: (i, 0)),
            pl.BlockSpec((d, d), lambda i: (0, 0)),
            pl.BlockSpec((1, d), lambda i: (0, 0)),
            pl.BlockSpec((d, d), lambda i: (0, 0)),
        ],
        out_specs=pl.BlockSpec((_ROWS, d), lambda i: (i, 0)),
        out_shape=jax.ShapeDtypeStruct((n, d), jnp.float32),
    )(p, h, wrel, brel.reshape(1, d), wroot)


def kernel(x, edge_index, W_in, b_in, Wrel1, brel1, Wroot1, Wrel2, brel2,
           Wroot2):
    n, d = x.shape
    e = edge_index.shape[1]
    n_pad = (n // (8 * NS) + 1) * (8 * NS)
    n_dummy = n_pad - n
    zeros = jnp.zeros((n_pad // NS, d), jnp.float32)

    t_need = -(-e // CHUNK)
    q0 = max(1, round(t_need * _C0_FRAC / NS))
    q1 = max(1, -(-(t_need - NS * q0) // NS))
    t_pad = NS * (q0 + q1)
    e_pad = t_pad * CHUNK

    src = jnp.concatenate(
        [edge_index[0], jnp.zeros((e_pad - e,), jnp.int32)])
    pad_dst = n + jnp.arange(e_pad - e, dtype=jnp.int32) % n_dummy
    dst = jnp.concatenate([edge_index[1], pad_dst])
    idx = jnp.stack(
        [src.reshape(t_pad, CHUNK), dst.reshape(t_pad, CHUNK)],
        axis=1).reshape(-1)

    h = _dense_in(x, W_in, b_in)
    p1 = _spmm_partials(h, idx, zeros, n_pad, q0, q1)
    h1 = _dense_layer(p1, h, Wrel1, brel1, Wroot1)
    p2 = _spmm_partials(h1, idx, zeros, n_pad, q0, q1)
    out = _dense_layer(p2, h1, Wrel2, brel2, Wroot2)
    return out

# --- scband reference (transcript-rebuilt; emitter-appended) ---
"""Pipeline reference for scband-gcn-41326175322234 (READ-ONLY COPY).

The authoritative reference and input builder live on the scoring server;
editing this copy changes nothing except your own understanding.
"""

import jax, jax.numpy as jnp
import numpy as np

N = 10000
E = 320000
D = 128


def setup_inputs(seed: int = 0) -> dict:
    key = jax.random.key(seed)
    ks = jax.random.split(key, 12)
    x = jax.random.normal(ks[0], (N, D), dtype=jnp.float32)
    edge_index = jax.random.randint(ks[1], (2, E), 0, N, dtype=jnp.int32)
    # input MLP params
    W_in = jax.random.normal(ks[2], (D, D), dtype=jnp.float32) * 0.05
    b_in = jax.random.normal(ks[3], (D,), dtype=jnp.float32) * 0.05
    # GraphConv layer 1: lin_rel (with bias) applied to aggregated neighbors, lin_root (no bias)
    Wrel1 = jax.random.normal(ks[4], (D, D), dtype=jnp.float32) * 0.05
    brel1 = jax.random.normal(ks[5], (D,), dtype=jnp.float32) * 0.05
    Wroot1 = jax.random.normal(ks[6], (D, D), dtype=jnp.float32) * 0.05
    # GraphConv layer 2
    Wrel2 = jax.random.normal(ks[7], (D, D), dtype=jnp.float32) * 0.05
    brel2 = jax.random.normal(ks[8], (D,), dtype=jnp.float32) * 0.05
    Wroot2 = jax.random.normal(ks[9], (D, D), dtype=jnp.float32) * 0.05
    return {
        "x": x,
        "edge_index": edge_index,
        "W_in": W_in,
        "b_in": b_in,
        "Wrel1": Wrel1,
        "brel1": brel1,
        "Wroot1": Wroot1,
        "Wrel2": Wrel2,
        "brel2": brel2,
        "Wroot2": Wroot2,
    }


def _graph_conv(h, edge_index, Wrel, brel, Wroot):
    # PyG GraphConv with aggr='add':
    #   out_i = lin_rel( sum_{j in N(i)} h_j ) + lin_root(h_i)
    src = edge_index[0]
    dst = edge_index[1]
    msgs = jnp.take(h, src, axis=0)           # gather source node features
    agg = jax.ops.segment_sum(msgs, dst, num_segments=N)  # scatter-add to dst
    return agg @ Wrel.T + brel + h @ Wroot.T


def reference(x, edge_index, W_in, b_in, Wrel1, brel1, Wroot1, Wrel2, brel2, Wroot2):
    # input_mlp: Linear + ReLU
    h = jax.nn.relu(x @ W_in.T + b_in)
    # gcn layer 1 + relu activation
    h = jax.nn.relu(_graph_conv(h, edge_index, Wrel1, brel1, Wroot1))
    # gcn layer 2 + relu activation
    h = jax.nn.relu(_graph_conv(h, edge_index, Wrel2, brel2, Wroot2))
    return h

if __name__ == "__main__":
    import jax
    _d = setup_inputs()
    print(jax.jit(kernel)(*tuple(_d.values())))

</pallas_src>

<mosaic_0001>
#map = affine_map<(d0, d1) -> (0, 0)>
#map1 = affine_map<(d0, d1) -> (0)>
#map2 = affine_map<(d0, d1) -> (0, 0, 0)>
module attributes {stable_mosaic.version = 14 : i64} {
  func.func @k(%arg0: i32, %arg1: i32, %arg2: memref<10000x128xf32, #tpu.memory_space<hbm>>, %arg3: memref<643072xi32, #tpu.memory_space<hbm>>, %arg4: memref<632x128xf32, #tpu.memory_space<hbm>>, %arg5: memref<2x10112x128xf32, #tpu.memory_space<hbm>>, %arg6: memref<256xi32, #tpu.memory_space<vmem>>, %arg7: memref<128x128xf32, #tpu.memory_space<vmem>>, %arg8: memref<10112x128xf32, #tpu.memory_space<vmem_shared>>) attributes {dimension_semantics = [#tpu.dimension_semantics<core_parallel>, #tpu.dimension_semantics<subcore_parallel>], iteration_bounds = array<i64: 2, 16>, scalar_prefetch = 0 : i64, scratch_operands = 3 : i64, tpu.core_type = #tpu.core_type<sc_vector_subcore>, window_params = [{transform_indices = #map}, {transform_indices = #map1}, {transform_indices = #map}, {transform_indices = #map2}]} {
    %eq3A = arith.constant 0 : i32
    %eq3A_0 = arith.cmpi eq, %arg0, %eq3A : i32
    %select_n3A = arith.constant 63 : i32
    %select_n3A_1 = arith.constant 94 : i32
    %select_n3A_2 = arith.select %eq3A_0, %select_n3A_1, %select_n3A : i32
    %mul3A = arith.constant 1504 : i32
    %mul3A_3 = arith.muli %arg0, %mul3A : i32
    %mul3A_4 = arith.muli %arg1, %select_n3A_2 : i32
    %add3A = arith.addi %mul3A_3, %mul3A_4 : i32
    %mul3A_5 = arith.constant 632 : i32
    %mul3A_6 = arith.muli %arg1, %mul3A_5 : i32
    "tpu.region"() ({
      %run_scoped3A = tpu.sem_alloc : memref<!tpu.dma_semaphore, #tpu.memory_space<semaphore_mem>>
      %dma_start3A = arith.constant 0 : i32
      %dma_start3A_17 = tpu.memref_slice %arg8[%mul3A_6, %dma_start3A] : memref<10112x128xf32, #tpu.memory_space<vmem_shared>> -> memref<632x128xf32, #tpu.memory_space<vmem_shared>>
      tpu.enqueue_dma source(%arg4 : memref<632x128xf32, #tpu.memory_space<hbm>>) target(%dma_start3A_17 : memref<632x128xf32, #tpu.memory_space<vmem_shared>>) target_semaphore(%run_scoped3A : memref<!tpu.dma_semaphore, #tpu.memory_space<semaphore_mem>>)
      %dma_wait3A = arith.constant 0 : i32
      %dma_wait3A_18 = tpu.memref_slice %arg8[%mul3A_6, %dma_wait3A] : memref<10112x128xf32, #tpu.memory_space<vmem_shared>> -> memref<632x128xf32, #tpu.memory_space<vmem_shared>>
      tpu.wait_dma2 semaphore(%run_scoped3A : memref<!tpu.dma_semaphore, #tpu.memory_space<semaphore_mem>>) src(%arg4 : memref<632x128xf32, #tpu.memory_space<hbm>>) dst(%dma_wait3A_18 : memref<632x128xf32, #tpu.memory_space<vmem_shared>>)
      tpu.yield
    }) : () -> ()
    %barrier3A = arith.constant 0 : index
    tpu.barrier barrier_id(%barrier3A)
    %scan3A = arith.constant 0 : i32
    %scan3A_7 = arith.constant 0 : i32
    %scan3A_8 = arith.constant 94 : i32
    %scan3A_9 = arith.addi %scan3A_7, %scan3A_8 : i32
    %scan3A_10 = arith.constant 1 : i32
    scf.for %scan3A_17 = %scan3A_7 to %scan3A_9 step %scan3A_10  : i32 {
      %lt3A = arith.cmpi slt, %scan3A_17, %select_n3A_2 : i32
      %convert_element_type3A = arith.extui %lt3A : i1 to i32
      %cond3A = arith.constant 0 : i32
      %cond3A_18 = arith.cmpi ne, %convert_element_type3A, %cond3A : i32
      scf.if %cond3A_18 {
        %add3A_19 = arith.addi %add3A, %scan3A_17 : i32
        %mul3A_20 = arith.constant 2 : i32
        %mul3A_21 = arith.muli %add3A_19, %mul3A_20 : i32
        %mul3A_22 = arith.constant 128 : i32
        %mul3A_23 = arith.muli %mul3A_21, %mul3A_22 : i32
        "tpu.region"() ({
          %run_scoped3A = tpu.sem_alloc : memref<!tpu.dma_semaphore, #tpu.memory_space<semaphore_mem>>
          %dma_start3A = tpu.memref_slice %arg3[%mul3A_23] : memref<643072xi32, #tpu.memory_space<hbm>> -> memref<256xi32, #tpu.memory_space<hbm>>
          %dma_start3A_24 = tpu.memref_slice %arg3[%mul3A_23] : memref<643072xi32, #tpu.memory_space<hbm>> -> memref<256xi32, #tpu.memory_space<hbm>>
          tpu.enqueue_dma source(%dma_start3A_24 : memref<256xi32, #tpu.memory_space<hbm>>) target(%arg6 : memref<256xi32, #tpu.memory_space<vmem>>) target_semaphore(%run_scoped3A : memref<!tpu.dma_semaphore, #tpu.memory_space<semaphore_mem>>)
          %dma_wait3A = tpu.memref_slice %arg3[%mul3A_23] : memref<643072xi32, #tpu.memory_space<hbm>> -> memref<256xi32, #tpu.memory_space<hbm>>
          %dma_wait3A_25 = tpu.memref_slice %arg3[%mul3A_23] : memref<643072xi32, #tpu.memory_space<hbm>> -> memref<256xi32, #tpu.memory_space<hbm>>
          tpu.wait_dma2 semaphore(%run_scoped3A : memref<!tpu.dma_semaphore, #tpu.memory_space<semaphore_mem>>) src(%dma_wait3A_25 : memref<256xi32, #tpu.memory_space<hbm>>) dst(%arg6 : memref<256xi32, #tpu.memory_space<vmem>>)
          tpu.yield
        }) : () -> ()
        "tpu.region"() ({
          %run_scoped3A = tpu.sem_alloc : memref<!tpu.dma_semaphore, #tpu.memory_space<semaphore_mem>>
          %dma_start3A = arith.constant 0 : i32
          %dma_start3A_24 = tpu.memref_slice %arg6[%dma_start3A] : memref<256xi32, #tpu.memory_space<vmem>> -> memref<128xi32, #tpu.memory_space<vmem>>
          %dma_start3A_25 = arith.constant 0 : i32
          %dma_start3A_26 = arith.constant 0 : i32
          %dma_start3A_27 = tpu.memref_slice %arg2[%dma_start3A_25, %dma_start3A_26] : memref<10000x128xf32, #tpu.memory_space<hbm>> -> memref<10000x128xf32, #tpu.memory_space<hbm>>
          tpu.enqueue_indirect_dma source(%dma_start3A_27 : memref<10000x128xf32, #tpu.memory_space<hbm>>) target(%arg7 : memref<128x128xf32, #tpu.memory_space<vmem>>) offsets(%dma_start3A_24 : memref<128xi32, #tpu.memory_space<vmem>>) semaphore(%run_scoped3A : memref<!tpu.dma_semaphore, #tpu.memory_space<semaphore_mem>>)
          %dma_wait3A = arith.constant 0 : i32
          %dma_wait3A_28 = tpu.memref_slice %arg6[%dma_wait3A] : memref<256xi32, #tpu.memory_space<vmem>> -> memref<128xi32, #tpu.memory_space<vmem>>
          %dma_wait3A_29 = arith.constant 0 : i32
          %dma_wait3A_30 = arith.constant 0 : i32
          %dma_wait3A_31 = tpu.memref_slice %arg2[%dma_wait3A_29, %dma_wait3A_30] : memref<10000x128xf32, #tpu.memory_space<hbm>> -> memref<10000x128xf32, #tpu.memory_space<hbm>>
          tpu.wait_indirect_dma semaphore(%run_scoped3A : memref<!tpu.dma_semaphore, #tpu.memory_space<semaphore_mem>>) src(%dma_wait3A_31 : memref<10000x128xf32, #tpu.memory_space<hbm>>) dst(%arg7 : memref<128x128xf32, #tpu.memory_space<vmem>>)
          tpu.yield
        }) : () -> ()
        "tpu.region"() ({
          %run_scoped3A = tpu.sem_alloc : memref<!tpu.dma_semaphore, #tpu.memory_space<semaphore_mem>>
          %dma_start3A = arith.constant 128 : i32
          %dma_start3A_24 = tpu.memref_slice %arg6[%dma_start3A] : memref<256xi32, #tpu.memory_space<vmem>> -> memref<128xi32, #tpu.memory_space<vmem>>
          %dma_start3A_25 = arith.constant 0 : i32
          %dma_start3A_26 = arith.constant 0 : i32
          %dma_start3A_27 = tpu.memref_slice %arg8[%dma_start3A_25, %dma_start3A_26] : memref<10112x128xf32, #tpu.memory_space<vmem_shared>> -> memref<10112x128xf32, #tpu.memory_space<vmem_shared>>
          tpu.enqueue_indirect_dma source(%arg7 : memref<128x128xf32, #tpu.memory_space<vmem>>) target(%dma_start3A_27 : memref<10112x128xf32, #tpu.memory_space<vmem_shared>>) offsets(%dma_start3A_24 : memref<128xi32, #tpu.memory_space<vmem>>) semaphore(%run_scoped3A : memref<!tpu.dma_semaphore, #tpu.memory_space<semaphore_mem>>) {add = true}
          %dma_wait3A = arith.constant 128 : i32
          %dma_wait3A_28 = tpu.memref_slice %arg6[%dma_wait3A] : memref<256xi32, #tpu.memory_space<vmem>> -> memref<128xi32, #tpu.memory_space<vmem>>
          %dma_wait3A_29 = arith.constant 0 : i32
          %dma_wait3A_30 = arith.constant 0 : i32
          %dma_wait3A_31 = tpu.memref_slice %arg8[%dma_wait3A_29, %dma_wait3A_30] : memref<10112x128xf32, #tpu.memory_space<vmem_shared>> -> memref<10112x128xf32, #tpu.memory_space<vmem_shared>>
          tpu.wait_indirect_dma semaphore(%run_scoped3A : memref<!tpu.dma_semaphore, #tpu.memory_space<semaphore_mem>>) src(%arg7 : memref<128x128xf32, #tpu.memory_space<vmem>>) dst(%dma_wait3A_31 : memref<10112x128xf32, #tpu.memory_space<vmem_shared>>)
          tpu.yield
        }) : () -> ()
      } else {
      }
    }
    %scan3A_11 = arith.constant 94 : i32
    %barrier3A_12 = arith.constant 0 : index
    tpu.barrier barrier_id(%barrier3A_12)
    %mul3A_13 = arith.constant 632 : i32
    %mul3A_14 = arith.muli %arg1, %mul3A_13 : i32
    %mul3A_15 = arith.constant 632 : i32
    %mul3A_16 = arith.muli %arg1, %mul3A_15 : i32
    "tpu.region"() ({
      %run_scoped3A = tpu.sem_alloc : memref<!tpu.dma_semaphore, #tpu.memory_space<semaphore_mem>>
      %dma_start3A = arith.constant 0 : i32
      %dma_start3A_17 = arith.constant 0 : i32
      %dma_start3A_18 = tpu.memref_slice %arg5[%arg0, %dma_start3A, %dma_start3A_17] : memref<2x10112x128xf32, #tpu.memory_space<hbm>> -> memref<1x10112x128xf32, #tpu.memory_space<hbm>>
      %dma_start3A_19 = tpu.memref_squeeze %dma_start3A_18 : memref<1x10112x128xf32, #tpu.memory_space<hbm>> -> memref<10112x128xf32, #tpu.memory_space<hbm>>
      %dma_start3A_20 = arith.constant 0 : i32
      %dma_start3A_21 = tpu.memref_slice %dma_start3A_19[%mul3A_16, %dma_start3A_20] : memref<10112x128xf32, #tpu.memory_space<hbm>> -> memref<632x128xf32, #tpu.memory_space<hbm>>
      %dma_start3A_22 = arith.constant 0 : i32
      %dma_start3A_23 = tpu.memref_slice %arg8[%mul3A_14, %dma_start3A_22] : memref<10112x128xf32, #tpu.memory_space<vmem_shared>> -> memref<632x128xf32, #tpu.memory_space<vmem_shared>>
      tpu.enqueue_dma source(%dma_start3A_23 : memref<632x128xf32, #tpu.memory_space<vmem_shared>>) target(%dma_start3A_21 : memref<632x128xf32, #tpu.memory_space<hbm>>) target_semaphore(%run_scoped3A : memref<!tpu.dma_semaphore, #tpu.memory_space<semaphore_mem>>)
      %dma_wait3A = arith.constant 0 : i32
      %dma_wait3A_24 = arith.constant 0 : i32
      %dma_wait3A_25 = tpu.memref_slice %arg5[%arg0, %dma_wait3A, %dma_wait3A_24] : memref<2x10112x128xf32, #tpu.memory_space<hbm>> -> memref<1x10112x128xf32, #tpu.memory_space<hbm>>
      %dma_wait3A_26 = tpu.memref_squeeze %dma_wait3A_25 : memref<1x10112x128xf32, #tpu.memory_space<hbm>> -> memref<10112x128xf32, #tpu.memory_space<hbm>>
      %dma_wait3A_27 = arith.constant 0 : i32
      %dma_wait3A_28 = tpu.memref_slice %dma_wait3A_26[%mul3A_16, %dma_wait3A_27] : memref<10112x128xf32, #tpu.memory_space<hbm>> -> memref<632x128xf32, #tpu.memory_space<hbm>>
      %dma_wait3A_29 = arith.constant 0 : i32
      %dma_wait3A_30 = tpu.memref_slice %arg8[%mul3A_14, %dma_wait3A_29] : memref<10112x128xf32, #tpu.memory_space<vmem_shared>> -> memref<632x128xf32, #tpu.memory_space<vmem_shared>>
      tpu.wait_dma2 semaphore(%run_scoped3A : memref<!tpu.dma_semaphore, #tpu.memory_space<semaphore_mem>>) src(%dma_wait3A_30 : memref<632x128xf32, #tpu.memory_space<vmem_shared>>) dst(%dma_wait3A_28 : memref<632x128xf32, #tpu.memory_space<hbm>>)
      tpu.yield
    }) : () -> ()
    return
  }
}

#map = affine_map<(d0, d1) -> (0, 0)>
#map1 = affine_map<(d0, d1) -> (0)>
#map2 = affine_map<(d0, d1) -> (0, 0, 0)>
module attributes {stable_mosaic.version = 14 : i64} {
  func.func @k(%arg0: i32, %arg1: i32, %arg2: memref<10000x128xf32, #tpu.memory_space<hbm>>, %arg3: memref<643072xi32, #tpu.memory_space<hbm>>, %arg4: memref<632x128xf32, #tpu.memory_space<hbm>>, %arg5: memref<2x10112x128xf32, #tpu.memory_space<hbm>>, %arg6: memref<256xi32, #tpu.memory_space<vmem>>, %arg7: memref<128x128xf32, #tpu.memory_space<vmem>>, %arg8: memref<10112x128xf32, #tpu.memory_space<vmem_shared>>) attributes {dimension_semantics = [#tpu.dimension_semantics<core_parallel>, #tpu.dimension_semantics<subcore_parallel>], iteration_bounds = array<i64: 2, 16>, scalar_prefetch = 0 : i64, scratch_operands = 3 : i64, tpu.core_type = #tpu.core_type<sc_vector_subcore>, window_params = [{transform_indices = #map}, {transform_indices = #map1}, {transform_indices = #map}, {transform_indices = #map2}]} {
    %eq3A = arith.constant 0 : i32
    %eq3A_0 = arith.cmpi eq, %arg0, %eq3A : i32
    %select_n3A = arith.constant 63 : i32
    %select_n3A_1 = arith.constant 94 : i32
    %select_n3A_2 = arith.select %eq3A_0, %select_n3A_1, %select_n3A : i32
    %mul3A = arith.constant 1504 : i32
    %mul3A_3 = arith.muli %arg0, %mul3A : i32
    %mul3A_4 = arith.muli %arg1, %select_n3A_2 : i32
    %add3A = arith.addi %mul3A_3, %mul3A_4 : i32
    %mul3A_5 = arith.constant 632 : i32
    %mul3A_6 = arith.muli %arg1, %mul3A_5 : i32
    "tpu.region"() ({
      %run_scoped3A = tpu.sem_alloc : memref<!tpu.dma_semaphore, #tpu.memory_space<semaphore_mem>>
      %dma_start3A = arith.constant 0 : i32
      %dma_start3A_17 = tpu.memref_slice %arg8[%mul3A_6, %dma_start3A] : memref<10112x128xf32, #tpu.memory_space<vmem_shared>> -> memref<632x128xf32, #tpu.memory_space<vmem_shared>>
      tpu.enqueue_dma source(%arg4 : memref<632x128xf32, #tpu.memory_space<hbm>>) target(%dma_start3A_17 : memref<632x128xf32, #tpu.memory_space<vmem_shared>>) target_semaphore(%run_scoped3A : memref<!tpu.dma_semaphore, #tpu.memory_space<semaphore_mem>>)
      %dma_wait3A = arith.constant 0 : i32
      %dma_wait3A_18 = tpu.memref_slice %arg8[%mul3A_6, %dma_wait3A] : memref<10112x128xf32, #tpu.memory_space<vmem_shared>> -> memref<632x128xf32, #tpu.memory_space<vmem_shared>>
      tpu.wait_dma2 semaphore(%run_scoped3A : memref<!tpu.dma_semaphore, #tpu.memory_space<semaphore_mem>>) src(%arg4 : memref<632x128xf32, #tpu.memory_space<hbm>>) dst(%dma_wait3A_18 : memref<632x128xf32, #tpu.memory_space<vmem_shared>>)
      tpu.yield
    }) : () -> ()
    %barrier3A = arith.constant 0 : index
    tpu.barrier barrier_id(%barrier3A)
    %scan3A = arith.constant 0 : i32
    %scan3A_7 = arith.constant 0 : i32
    %scan3A_8 = arith.constant 94 : i32
    %scan3A_9 = arith.addi %scan3A_7, %scan3A_8 : i32
    %scan3A_10 = arith.constant 1 : i32
    scf.for %scan3A_17 = %scan3A_7 to %scan3A_9 step %scan3A_10  : i32 {
      %lt3A = arith.cmpi slt, %scan3A_17, %select_n3A_2 : i32
      %convert_element_type3A = arith.extui %lt3A : i1 to i32
      %cond3A = arith.constant 0 : i32
      %cond3A_18 = arith.cmpi ne, %convert_element_type3A, %cond3A : i32
      scf.if %cond3A_18 {
        %add3A_19 = arith.addi %add3A, %scan3A_17 : i32
        %mul3A_20 = arith.constant 2 : i32
        %mul3A_21 = arith.muli %add3A_19, %mul3A_20 : i32
        %mul3A_22 = arith.constant 128 : i32
        %mul3A_23 = arith.muli %mul3A_21, %mul3A_22 : i32
        "tpu.region"() ({
          %run_scoped3A = tpu.sem_alloc : memref<!tpu.dma_semaphore, #tpu.memory_space<semaphore_mem>>
          %dma_start3A = tpu.memref_slice %arg3[%mul3A_23] : memref<643072xi32, #tpu.memory_space<hbm>> -> memref<256xi32, #tpu.memory_space<hbm>>
          %dma_start3A_24 = tpu.memref_slice %arg3[%mul3A_23] : memref<643072xi32, #tpu.memory_space<hbm>> -> memref<256xi32, #tpu.memory_space<hbm>>
          tpu.enqueue_dma source(%dma_start3A_24 : memref<256xi32, #tpu.memory_space<hbm>>) target(%arg6 : memref<256xi32, #tpu.memory_space<vmem>>) target_semaphore(%run_scoped3A : memref<!tpu.dma_semaphore, #tpu.memory_space<semaphore_mem>>)
          %dma_wait3A = tpu.memref_slice %arg3[%mul3A_23] : memref<643072xi32, #tpu.memory_space<hbm>> -> memref<256xi32, #tpu.memory_space<hbm>>
          %dma_wait3A_25 = tpu.memref_slice %arg3[%mul3A_23] : memref<643072xi32, #tpu.memory_space<hbm>> -> memref<256xi32, #tpu.memory_space<hbm>>
          tpu.wait_dma2 semaphore(%run_scoped3A : memref<!tpu.dma_semaphore, #tpu.memory_space<semaphore_mem>>) src(%dma_wait3A_25 : memref<256xi32, #tpu.memory_space<hbm>>) dst(%arg6 : memref<256xi32, #tpu.memory_space<vmem>>)
          tpu.yield
        }) : () -> ()
        "tpu.region"() ({
          %run_scoped3A = tpu.sem_alloc : memref<!tpu.dma_semaphore, #tpu.memory_space<semaphore_mem>>
          %dma_start3A = arith.constant 0 : i32
          %dma_start3A_24 = tpu.memref_slice %arg6[%dma_start3A] : memref<256xi32, #tpu.memory_space<vmem>> -> memref<128xi32, #tpu.memory_space<vmem>>
          %dma_start3A_25 = arith.constant 0 : i32
          %dma_start3A_26 = arith.constant 0 : i32
          %dma_start3A_27 = tpu.memref_slice %arg2[%dma_start3A_25, %dma_start3A_26] : memref<10000x128xf32, #tpu.memory_space<hbm>> -> memref<10000x128xf32, #tpu.memory_space<hbm>>
          tpu.enqueue_indirect_dma source(%dma_start3A_27 : memref<10000x128xf32, #tpu.memory_space<hbm>>) target(%arg7 : memref<128x128xf32, #tpu.memory_space<vmem>>) offsets(%dma_start3A_24 : memref<128xi32, #tpu.memory_space<vmem>>) semaphore(%run_scoped3A : memref<!tpu.dma_semaphore, #tpu.memory_space<semaphore_mem>>)
          %dma_wait3A = arith.constant 0 : i32
          %dma_wait3A_28 = tpu.memref_slice %arg6[%dma_wait3A] : memref<256xi32, #tpu.memory_space<vmem>> -> memref<128xi32, #tpu.memory_space<vmem>>
          %dma_wait3A_29 = arith.constant 0 : i32
          %dma_wait3A_30 = arith.constant 0 : i32
          %dma_wait3A_31 = tpu.memref_slice %arg2[%dma_wait3A_29, %dma_wait3A_30] : memref<10000x128xf32, #tpu.memory_space<hbm>> -> memref<10000x128xf32, #tpu.memory_space<hbm>>
          tpu.wait_indirect_dma semaphore(%run_scoped3A : memref<!tpu.dma_semaphore, #tpu.memory_space<semaphore_mem>>) src(%dma_wait3A_31 : memref<10000x128xf32, #tpu.memory_space<hbm>>) dst(%arg7 : memref<128x128xf32, #tpu.memory_space<vmem>>)
          tpu.yield
        }) : () -> ()
        "tpu.region"() ({
          %run_scoped3A = tpu.sem_alloc : memref<!tpu.dma_semaphore, #tpu.memory_space<semaphore_mem>>
          %dma_start3A = arith.constant 128 : i32
          %dma_start3A_24 = tpu.memref_slice %arg6[%dma_start3A] : memref<256xi32, #tpu.memory_space<vmem>> -> memref<128xi32, #tpu.memory_space<vmem>>
          %dma_start3A_25 = arith.constant 0 : i32
          %dma_start3A_26 = arith.constant 0 : i32
          %dma_start3A_27 = tpu.memref_slice %arg8[%dma_start3A_25, %dma_start3A_26] : memref<10112x128xf32, #tpu.memory_space<vmem_shared>> -> memref<10112x128xf32, #tpu.memory_space<vmem_shared>>
          tpu.enqueue_indirect_dma source(%arg7 : memref<128x128xf32, #tpu.memory_space<vmem>>) target(%dma_start3A_27 : memref<10112x128xf32, #tpu.memory_space<vmem_shared>>) offsets(%dma_start3A_24 : memref<128xi32, #tpu.memory_space<vmem>>) semaphore(%run_scoped3A : memref<!tpu.dma_semaphore, #tpu.memory_space<semaphore_mem>>) {add = true}
          %dma_wait3A = arith.constant 128 : i32
          %dma_wait3A_28 = tpu.memref_slice %arg6[%dma_wait3A] : memref<256xi32, #tpu.memory_space<vmem>> -> memref<128xi32, #tpu.memory_space<vmem>>
          %dma_wait3A_29 = arith.constant 0 : i32
          %dma_wait3A_30 = arith.constant 0 : i32
          %dma_wait3A_31 = tpu.memref_slice %arg8[%dma_wait3A_29, %dma_wait3A_30] : memref<10112x128xf32, #tpu.memory_space<vmem_shared>> -> memref<10112x128xf32, #tpu.memory_space<vmem_shared>>
          tpu.wait_indirect_dma semaphore(%run_scoped3A : memref<!tpu.dma_semaphore, #tpu.memory_space<semaphore_mem>>) src(%arg7 : memref<128x128xf32, #tpu.memory_space<vmem>>) dst(%dma_wait3A_31 : memref<10112x128xf32, #tpu.memory_space<vmem_shared>>)
          tpu.yield
        }) : () -> ()
      } else {
      }
    }
    %scan3A_11 = arith.constant 94 : i32
    %barrier3A_12 = arith.constant 0 : index
    tpu.barrier barrier_id(%barrier3A_12)
    %mul3A_13 = arith.constant 632 : i32
    %mul3A_14 = arith.muli %arg1, %mul3A_13 : i32
    %mul3A_15 = arith.constant 632 : i32
    %mul3A_16 = arith.muli %arg1, %mul3A_15 : i32
    "tpu.region"() ({
      %run_scoped3A = tpu.sem_alloc : memref<!tpu.dma_semaphore, #tpu.memory_space<semaphore_mem>>
      %dma_start3A = arith.constant 0 : i32
      %dma_start3A_17 = arith.constant 0 : i32
      %dma_start3A_18 = tpu.memref_slice %arg5[%arg0, %dma_start3A, %dma_start3A_17] : memref<2x10112x128xf32, #tpu.memory_space<hbm>> -> memref<1x10112x128xf32, #tpu.memory_space<hbm>>
      %dma_start3A_19 = tpu.memref_squeeze %dma_start3A_18 : memref<1x10112x128xf32, #tpu.memory_space<hbm>> -> memref<10112x128xf32, #tpu.memory_space<hbm>>
      %dma_start3A_20 = arith.constant 0 : i32
      %dma_start3A_21 = tpu.memref_slice %dma_start3A_19[%mul3A_16, %dma_start3A_20] : memref<10112x128xf32, #tpu.memory_space<hbm>> -> memref<632x128xf32, #tpu.memory_space<hbm>>
      %dma_start3A_22 = arith.constant 0 : i32
      %dma_start3A_23 = tpu.memref_slice %arg8[%mul3A_14, %dma_start3A_22] : memref<10112x128xf32, #tpu.memory_space<vmem_shared>> -> memref<632x128xf32, #tpu.memory_space<vmem_shared>>
      tpu.enqueue_dma source(%dma_start3A_23 : memref<632x128xf32, #tpu.memory_space<vmem_shared>>) target(%dma_start3A_21 : memref<632x128xf32, #tpu.memory_space<hbm>>) target_semaphore(%run_scoped3A : memref<!tpu.dma_semaphore, #tpu.memory_space<semaphore_mem>>)
      %dma_wait3A = arith.constant 0 : i32
      %dma_wait3A_24 = arith.constant 0 : i32
      %dma_wait3A_25 = tpu.memref_slice %arg5[%arg0, %dma_wait3A, %dma_wait3A_24] : memref<2x10112x128xf32, #tpu.memory_space<hbm>> -> memref<1x10112x128xf32, #tpu.memory_space<hbm>>
      %dma_wait3A_26 = tpu.memref_squeeze %dma_wait3A_25 : memref<1x10112x128xf32, #tpu.memory_space<hbm>> -> memref<10112x128xf32, #tpu.memory_space<hbm>>
      %dma_wait3A_27 = arith.constant 0 : i32
      %dma_wait3A_28 = tpu.memref_slice %dma_wait3A_26[%mul3A_16, %dma_wait3A_27] : memref<10112x128xf32, #tpu.memory_space<hbm>> -> memref<632x128xf32, #tpu.memory_space<hbm>>
      %dma_wait3A_29 = arith.constant 0 : i32
      %dma_wait3A_30 = tpu.memref_slice %arg8[%mul3A_14, %dma_wait3A_29] : memref<10112x128xf32, #tpu.memory_space<vmem_shared>> -> memref<632x128xf32, #tpu.memory_space<vmem_shared>>
      tpu.wait_dma2 semaphore(%run_scoped3A : memref<!tpu.dma_semaphore, #tpu.memory_space<semaphore_mem>>) src(%dma_wait3A_30 : memref<632x128xf32, #tpu.memory_space<vmem_shared>>) dst(%dma_wait3A_28 : memref<632x128xf32, #tpu.memory_space<hbm>>)
      tpu.yield
    }) : () -> ()
    return
  }
}

module attributes {stable_mosaic.version = 14 : i64} {
  func.func @body(%arg0: i32, %arg1: memref<1000x128xf32, #tpu.memory_space<vmem>>, %arg2: memref<128x128xf32, #tpu.memory_space<vmem>>, %arg3: memref<1x128xf32, #tpu.memory_space<vmem>>, %arg4: memref<1000x128xf32, #tpu.memory_space<vmem>>) attributes {dimension_semantics = [#tpu.dimension_semantics<arbitrary>], iteration_bounds = array<i64: 10>, scalar_prefetch = 0 : i64, scratch_operands = 0 : i64, tpu.core_type = #tpu.core_type<tc>, window_params = [{transform_indices = @transform_0, window_bounds = array<i64: 1000, 128>}, {pipeline_mode = #tpu.pipeline_mode<synchronous>, transform_indices = @transform_1, window_bounds = array<i64: 128, 128>}, {pipeline_mode = #tpu.pipeline_mode<synchronous>, transform_indices = @transform_2, window_bounds = array<i64: 1, 128>}, {transform_indices = @transform_3, window_bounds = array<i64: 1000, 128>}]} {
    %get3A = arith.constant 0 : index
    %get3A_0 = arith.constant 0 : index
    %get3A_1 = vector.load %arg1[%get3A, %get3A_0] : memref<1000x128xf32, #tpu.memory_space<vmem>>, vector<1000x128xf32>
    %get3A_2 = arith.constant 0 : index
    %get3A_3 = arith.constant 0 : index
    %get3A_4 = vector.load %arg2[%get3A_2, %get3A_3] : memref<128x128xf32, #tpu.memory_space<vmem>>, vector<128x128xf32>
    %dot_general3A = arith.constant dense<0.000000e+00> : vector<1000x128xf32>
    %dot_general3A_5 = tpu.matmul %get3A_1, %get3A_4, %dot_general3A {dimension_numbers = #tpu.dot_dimension_numbers<[1], [1], [0], [0], [0, 0, 1, 0], [], []>, transpose_lhs_hint = false} : vector<1000x128xf32>, vector<128x128xf32>, vector<1000x128xf32> -> vector<1000x128xf32>
    %get3A_6 = arith.constant 0 : index
    %get3A_7 = arith.constant 0 : index
    %get3A_8 = vector.load %arg3[%get3A_6, %get3A_7] : memref<1x128xf32, #tpu.memory_space<vmem>>, vector<1x128xf32>
    %add3A = vector.broadcast %get3A_8 : vector<1x128xf32> to vector<1000x128xf32>
    %add3A_9 = arith.addf %dot_general3A_5, %add3A : vector<1000x128xf32>
    %max3A = arith.constant 0.000000e+00 : f32
    %max3A_10 = vector.broadcast %max3A : f32 to vector<1000x128xf32>
    %max3A_11 = arith.maximumf %add3A_9, %max3A_10 : vector<1000x128xf32>
    %swap3A = arith.constant 0 : index
    %swap3A_12 = arith.constant 0 : index
    %swap3A_13 = vector.load %arg4[%swap3A, %swap3A_12] : memref<1000x128xf32, #tpu.memory_space<vmem>>, vector<1000x128xf32>
    tpu.vector_store %arg4[%swap3A, %swap3A_12], %max3A_11 {strides = array<i32>} : memref<1000x128xf32, #tpu.memory_space<vmem>>, vector<1000x128xf32>,
    return
  }
  func.func @transform_0(%arg0: i32) -> (i32, i32) {
    %c0_i32 = arith.constant 0 : i32
    %c0_i32_0 = arith.constant 0 : i32
    return %arg0, %c0_i32 : i32, i32
  }
  func.func @transform_1(%arg0: i32) -> (i32, i32) {
    %c0_i32 = arith.constant 0 : i32
    %c0_i32_0 = arith.constant 0 : i32
    %c0_i32_1 = arith.constant 0 : i32
    return %c0_i32, %c0_i32_0 : i32, i32
  }
  func.func @transform_2(%arg0: i32) -> (i32, i32) {
    %c0_i32 = arith.constant 0 : i32
    %c0_i32_0 = arith.constant 0 : i32
    %c0_i32_1 = arith.constant 0 : i32
    return %c0_i32, %c0_i32_0 : i32, i32
  }
  func.func @transform_3(%arg0: i32) -> (i32, i32) {
    %c0_i32 = arith.constant 0 : i32
    %c0_i32_0 = arith.constant 0 : i32
    return %arg0, %c0_i32 : i32, i32
  }
}

module attributes {stable_mosaic.version = 14 : i64} {
  func.func @body(%arg0: i32, %arg1: memref<2x1000x128xf32, #tpu.memory_space<vmem>>, %arg2: memref<1000x128xf32, #tpu.memory_space<vmem>>, %arg3: memref<128x128xf32, #tpu.memory_space<vmem>>, %arg4: memref<1x128xf32, #tpu.memory_space<vmem>>, %arg5: memref<128x128xf32, #tpu.memory_space<vmem>>, %arg6: memref<1000x128xf32, #tpu.memory_space<vmem>>) attributes {dimension_semantics = [#tpu.dimension_semantics<arbitrary>], iteration_bounds = array<i64: 10>, scalar_prefetch = 0 : i64, scratch_operands = 0 : i64, tpu.core_type = #tpu.core_type<tc>, window_params = [{transform_indices = @transform_0, window_bounds = array<i64: 2, 1000, 128>}, {transform_indices = @transform_1, window_bounds = array<i64: 1000, 128>}, {pipeline_mode = #tpu.pipeline_mode<synchronous>, transform_indices = @transform_2, window_bounds = array<i64: 128, 128>}, {pipeline_mode = #tpu.pipeline_mode<synchronous>, transform_indices = @transform_3, window_bounds = array<i64: 1, 128>}, {pipeline_mode = #tpu.pipeline_mode<synchronous>, transform_indices = @transform_4, window_bounds = array<i64: 128, 128>}, {transform_indices = @transform_5, window_bounds = array<i64: 1000, 128>}]} {
    %get3A = arith.constant 0 : index
    %get3A_0 = arith.constant 0 : index
    %get3A_1 = arith.constant 0 : index
    %get3A_2 = vector.load %arg1[%get3A, %get3A_0, %get3A_1] : memref<2x1000x128xf32, #tpu.memory_space<vmem>>, vector<1x1000x128xf32>
    %get3A_3 = vector.shape_cast %get3A_2 : vector<1x1000x128xf32> to vector<1000x128xf32>
    %get3A_4 = arith.constant 1 : index
    %get3A_5 = arith.constant 0 : index
    %get3A_6 = arith.constant 0 : index
    %get3A_7 = vector.load %arg1[%get3A_4, %get3A_5, %get3A_6] : memref<2x1000x128xf32, #tpu.memory_space<vmem>>, vector<1x1000x128xf32>
    %get3A_8 = vector.shape_cast %get3A_7 : vector<1x1000x128xf32> to vector<1000x128xf32>
    %add3A = arith.addf %get3A_3, %get3A_8 : vector<1000x128xf32>
    %get3A_9 = arith.constant 0 : index
    %get3A_10 = arith.constant 0 : index
    %get3A_11 = vector.load %arg3[%get3A_9, %get3A_10] : memref<128x128xf32, #tpu.memory_space<vmem>>, vector<128x128xf32>
    %dot_general3A = arith.constant dense<0.000000e+00> : vector<1000x128xf32>
    %dot_general3A_12 = tpu.matmul %add3A, %get3A_11, %dot_general3A {dimension_numbers = #tpu.dot_dimension_numbers<[1], [1], [0], [0], [0, 0, 1, 0], [], []>, transpose_lhs_hint = false} : vector<1000x128xf32>, vector<128x128xf32>, vector<1000x128xf32> -> vector<1000x128xf32>
    %get3A_13 = arith.constant 0 : index
    %get3A_14 = arith.constant 0 : index
    %get3A_15 = vector.load %arg2[%get3A_13, %get3A_14] : memref<1000x128xf32, #tpu.memory_space<vmem>>, vector<1000x128xf32>
    %get3A_16 = arith.constant 0 : index
    %get3A_17 = arith.constant 0 : index
    %get3A_18 = vector.load %arg5[%get3A_16, %get3A_17] : memref<128x128xf32, #tpu.memory_space<vmem>>, vector<128x128xf32>
    %dot_general3A_19 = arith.constant dense<0.000000e+00> : vector<1000x128xf32>
    %dot_general3A_20 = tpu.matmul %get3A_15, %get3A_18, %dot_general3A_19 {dimension_numbers = #tpu.dot_dimension_numbers<[1], [1], [0], [0], [0, 0, 1, 0], [], []>, transpose_lhs_hint = false} : vector<1000x128xf32>, vector<128x128xf32>, vector<1000x128xf32> -> vector<1000x128xf32>
    %add3A_21 = arith.addf %dot_general3A_12, %dot_general3A_20 : vector<1000x128xf32>
    %get3A_22 = arith.constant 0 : index
    %get3A_23 = arith.constant 0 : index
    %get3A_24 = vector.load %arg4[%get3A_22, %get3A_23] : memref<1x128xf32, #tpu.memory_space<vmem>>, vector<1x128xf32>
    %add3A_25 = vector.broadcast %get3A_24 : vector<1x128xf32> to vector<1000x128xf32>
    %add3A_26 = arith.addf %add3A_21, %add3A_25 : vector<1000x128xf32>
    %max3A = arith.constant 0.000000e+00 : f32
    %max3A_27 = vector.broadcast %max3A : f32 to vector<1000x128xf32>
    %max3A_28 = arith.maximumf %add3A_26, %max3A_27 : vector<1000x128xf32>
    %swap3A = arith.constant 0 : index
    %swap3A_29 = arith.constant 0 : index
    %swap3A_30 = vector.load %arg6[%swap3A, %swap3A_29] : memref<1000x128xf32, #tpu.memory_space<vmem>>, vector<1000x128xf32>
    tpu.vector_store %arg6[%swap3A, %swap3A_29], %max3A_28 {strides = array<i32>} : memref<1000x128xf32, #tpu.memory_space<vmem>>, vector<1000x128xf32>,
    return
  }
  func.func @transform_0(%arg0: i32) -> (i32, i32, i32) {
    %c0_i32 = arith.constant 0 : i32
    %c0_i32_0 = arith.constant 0 : i32
    %c0_i32_1 = arith.constant 0 : i32
    return %c0_i32, %arg0, %c0_i32_0 : i32, i32, i32
  }
  func.func @transform_1(%arg0: i32) -> (i32, i32) {
    %c0_i32 = arith.constant 0 : i32
    %c0_i32_0 = arith.constant 0 : i32
    return %arg0, %c0_i32 : i32, i32
  }
  func.func @transform_2(%arg0: i32) -> (i32, i32) {
    %c0_i32 = arith.constant 0 : i32
    %c0_i32_0 = arith.constant 0 : i32
    %c0_i32_1 = arith.constant 0 : i32
    return %c0_i32, %c0_i32_0 : i32, i32
  }
  func.func @transform_3(%arg0: i32) -> (i32, i32) {
    %c0_i32 = arith.constant 0 : i32
    %c0_i32_0 = arith.constant 0 : i32
    %c0_i32_1 = arith.constant 0 : i32
    return %c0_i32, %c0_i32_0 : i32, i32
  }
  func.func @transform_4(%arg0: i32) -> (i32, i32) {
    %c0_i32 = arith.constant 0 : i32
    %c0_i32_0 = arith.constant 0 : i32
    %c0_i32_1 = arith.constant 0 : i32
    return %c0_i32, %c0_i32_0 : i32, i32
  }
  func.func @transform_5(%arg0: i32) -> (i32, i32) {
    %c0_i32 = arith.constant 0 : i32
    %c0_i32_0 = arith.constant 0 : i32
    return %arg0, %c0_i32 : i32, i32
  }
}

module attributes {stable_mosaic.version = 14 : i64} {
  func.func @body(%arg0: i32, %arg1: memref<2x1000x128xf32, #tpu.memory_space<vmem>>, %arg2: memref<1000x128xf32, #tpu.memory_space<vmem>>, %arg3: memref<128x128xf32, #tpu.memory_space<vmem>>, %arg4: memref<1x128xf32, #tpu.memory_space<vmem>>, %arg5: memref<128x128xf32, #tpu.memory_space<vmem>>, %arg6: memref<1000x128xf32, #tpu.memory_space<vmem>>) attributes {dimension_semantics = [#tpu.dimension_semantics<arbitrary>], iteration_bounds = array<i64: 10>, scalar_prefetch = 0 : i64, scratch_operands = 0 : i64, tpu.core_type = #tpu.core_type<tc>, window_params = [{transform_indices = @transform_0, window_bounds = array<i64: 2, 1000, 128>}, {transform_indices = @transform_1, window_bounds = array<i64: 1000, 128>}, {pipeline_mode = #tpu.pipeline_mode<synchronous>, transform_indices = @transform_2, window_bounds = array<i64: 128, 128>}, {pipeline_mode = #tpu.pipeline_mode<synchronous>, transform_indices = @transform_3, window_bounds = array<i64: 1, 128>}, {pipeline_mode = #tpu.pipeline_mode<synchronous>, transform_indices = @transform_4, window_bounds = array<i64: 128, 128>}, {transform_indices = @transform_5, window_bounds = array<i64: 1000, 128>}]} {
    %get3A = arith.constant 0 : index
    %get3A_0 = arith.constant 0 : index
    %get3A_1 = arith.constant 0 : index
    %get3A_2 = vector.load %arg1[%get3A, %get3A_0, %get3A_1] : memref<2x1000x128xf32, #tpu.memory_space<vmem>>, vector<1x1000x128xf32>
    %get3A_3 = vector.shape_cast %get3A_2 : vector<1x1000x128xf32> to vector<1000x128xf32>
    %get3A_4 = arith.constant 1 : index
    %get3A_5 = arith.constant 0 : index
    %get3A_6 = arith.constant 0 : index
    %get3A_7 = vector.load %arg1[%get3A_4, %get3A_5, %get3A_6] : memref<2x1000x128xf32, #tpu.memory_space<vmem>>, vector<1x1000x128xf32>
    %get3A_8 = vector.shape_cast %get3A_7 : vector<1x1000x128xf32> to vector<1000x128xf32>
    %add3A = arith.addf %get3A_3, %get3A_8 : vector<1000x128xf32>
    %get3A_9 = arith.constant 0 : index
    %get3A_10 = arith.constant 0 : index
    %get3A_11 = vector.load %arg3[%get3A_9, %get3A_10] : memref<128x128xf32, #tpu.memory_space<vmem>>, vector<128x128xf32>
    %dot_general3A = arith.constant dense<0.000000e+00> : vector<1000x128xf32>
    %dot_general3A_12 = tpu.matmul %add3A, %get3A_11, %dot_general3A {dimension_numbers = #tpu.dot_dimension_numbers<[1], [1], [0], [0], [0, 0, 1, 0], [], []>, transpose_lhs_hint = false} : vector<1000x128xf32>, vector<128x128xf32>, vector<1000x128xf32> -> vector<1000x128xf32>
    %get3A_13 = arith.constant 0 : index
    %get3A_14 = arith.constant 0 : index
    %get3A_15 = vector.load %arg2[%get3A_13, %get3A_14] : memref<1000x128xf32, #tpu.memory_space<vmem>>, vector<1000x128xf32>
    %get3A_16 = arith.constant 0 : index
    %get3A_17 = arith.constant 0 : index
    %get3A_18 = vector.load %arg5[%get3A_16, %get3A_17] : memref<128x128xf32, #tpu.memory_space<vmem>>, vector<128x128xf32>
    %dot_general3A_19 = arith.constant dense<0.000000e+00> : vector<1000x128xf32>
    %dot_general3A_20 = tpu.matmul %get3A_15, %get3A_18, %dot_general3A_19 {dimension_numbers = #tpu.dot_dimension_numbers<[1], [1], [0], [0], [0, 0, 1, 0], [], []>, transpose_lhs_hint = false} : vector<1000x128xf32>, vector<128x128xf32>, vector<1000x128xf32> -> vector<1000x128xf32>
    %add3A_21 = arith.addf %dot_general3A_12, %dot_general3A_20 : vector<1000x128xf32>
    %get3A_22 = arith.constant 0 : index
    %get3A_23 = arith.constant 0 : index
    %get3A_24 = vector.load %arg4[%get3A_22, %get3A_23] : memref<1x128xf32, #tpu.memory_space<vmem>>, vector<1x128xf32>
    %add3A_25 = vector.broadcast %get3A_24 : vector<1x128xf32> to vector<1000x128xf32>
    %add3A_26 = arith.addf %add3A_21, %add3A_25 : vector<1000x128xf32>
    %max3A = arith.constant 0.000000e+00 : f32
    %max3A_27 = vector.broadcast %max3A : f32 to vector<1000x128xf32>
    %max3A_28 = arith.maximumf %add3A_26, %max3A_27 : vector<1000x128xf32>
    %swap3A = arith.constant 0 : index
    %swap3A_29 = arith.constant 0 : index
    %swap3A_30 = vector.load %arg6[%swap3A, %swap3A_29] : memref<1000x128xf32, #tpu.memory_space<vmem>>, vector<1000x128xf32>
    tpu.vector_store %arg6[%swap3A, %swap3A_29], %max3A_28 {strides = array<i32>} : memref<1000x128xf32, #tpu.memory_space<vmem>>, vector<1000x128xf32>,
    return
  }
  func.func @transform_0(%arg0: i32) -> (i32, i32, i32) {
    %c0_i32 = arith.constant 0 : i32
    %c0_i32_0 = arith.constant 0 : i32
    %c0_i32_1 = arith.constant 0 : i32
    return %c0_i32, %arg0, %c0_i32_0 : i32, i32, i32
  }
  func.func @transform_1(%arg0: i32) -> (i32, i32) {
    %c0_i32 = arith.constant 0 : i32
    %c0_i32_0 = arith.constant 0 : i32
    return %arg0, %c0_i32 : i32, i32
  }
  func.func @transform_2(%arg0: i32) -> (i32, i32) {
    %c0_i32 = arith.constant 0 : i32
    %c0_i32_0 = arith.constant 0 : i32
    %c0_i32_1 = arith.constant 0 : i32
    return %c0_i32, %c0_i32_0 : i32, i32
  }
  func.func @transform_3(%arg0: i32) -> (i32, i32) {
    %c0_i32 = arith.constant 0 : i32
    %c0_i32_0 = arith.constant 0 : i32
    %c0_i32_1 = arith.constant 0 : i32
    return %c0_i32, %c0_i32_0 : i32, i32
  }
  func.func @transform_4(%arg0: i32) -> (i32, i32) {
    %c0_i32 = arith.constant 0 : i32
    %c0_i32_0 = arith.constant 0 : i32
    %c0_i32_1 = arith.constant 0 : i32
    return %c0_i32, %c0_i32_0 : i32, i32
  }
  func.func @transform_5(%arg0: i32) -> (i32, i32) {
    %c0_i32 = arith.constant 0 : i32
    %c0_i32_0 = arith.constant 0 : i32
    return %arg0, %c0_i32 : i32, i32
  }
}

</mosaic_0001>

<sc_bundles>
// kernel: kernel.10.cloned.1.call-start
scs
__scs_entry_jumppad:
0x0: {  	(pc) =	sbr.rel $0x88, $3  }
0x1: {  	(tag) =	ssettag $0x0;
	lr =	simm.s32 $0x1  }
0x2: {  	[smem:$0x3F97] =	sst lr;
	_ =	strace $0xD0000000  }
0x3: {  	_ = 	snop  }
0x4: {  	_ = 	snop  }
0x5: {  	_ = 	snop  }
0x6: {  	_ = 	snop  }
0x7: {  	_ = 	snop  }
__scs_overlays_trampoline_lowered:
0x8: {  	[smem:$0x3FA6] =	sst s0  }
0x9: {  	[smem:$0x3FA7] =	sst s1  }
0xa: {  	[smem:$0x3FA8] =	sst s2  }
0xb: {  	[smem:$0x3FA9] =	sst s3  }
0xc: {  	[smem:$0x3FAA] =	sst s4  }
0xd: {  	[smem:$0x3FAB] =	sst s5  }
0xe: {  	[smem:$0x3FAC] =	sst s6  }
0xf: {  	[smem:$0x3FAD] =	sst s7  }
0x10: {  	[smem:$0x3FAE] =	sst s8  }
0x11: {  	[smem:$0x3FAF] =	sst s9;
	s0 =	simm.s32 @!p0 $0x0  }
0x12: {  	s1 =	sld [smem:$0x3F95];
	s0 =	simm.s32 @p0 $0x1  }
0x13: {  	[smem:$0x3FB0] =	sst s0;
	s0 =	simm.s32 @!p1 $0x0  }
0x14: {  	s2 =	sld [smem:$0x3F94];
	s0 =	simm.s32 @p1 $0x1  }
0x15: {  	[smem:$0x3FB1] =	sst s0;
	s0 =	simm.s32 @!p2 $0x0  }
0x16: {  	s3 =	sld [smem:$0x3FDB];
	s0 =	simm.s32 @p2 $0x1  }
0x17: {  	s4 =	simm.s32 $0x1BF5;
	[smem:$0x3FB3] =	sst s0  }
0x18: {  	s0 =	sld [smem:$0x3F96];
	_ =	swait.ge [sflag:s4], $0x0  }
0x19: {  	s7 =	sld [smem:$0x3F97]  }
0x1a: {  	s8 =	sadd.s32 $0xFFFFE003, lr  }
0x1b: {  	s9 =	sadd.s32 $0xFFFFFEF7, lr;
	s5 =	simm.s32 $0xFFFFFFFF;
	p2 =	slt.u32 s8, $0xFFFFF086  }
0x1c: {  	p1 =	slt.u32 s9, $0xF7A;
	s5 =	simm.s32 @!p2 $0x0  }
0x1d: {  	s5 =	simm.s32 @p1 $0x1;
	p0 =	seq.s32 s7, s2  }
0x1e: {  	s7 =	smul.u32 @!p0 $0xF7A, s2;
	p2 =	seq.s32 @!p0 s5, $0x0  }
0x1f: {  	s9 =	smul.u32 $0xF7A, s1;
	s8 =	simm.s32 @!p0 $0x1BF5;
	p2 =	por !p2, p0  }
0x20: {  	[sflag:s8] =	ssyncset.s32 @!p0 $0xFFFFF086;
	s6 =	sadd.s32 @!p0 s3, s7;
	s7 =	simm.s32 @!p0 $0x108  }
0x21: {  	s3 =	sadd.s32 s3, s9;
	s6 =	sadd.s32 @!p0 $0x88, s6;
	s7 =	simm.s32 @p2 $0x1082  }
0x22: {  	[simem:s7], [sflag:s8] =	dma.local @!p0 [hbm:s6], $0xF7A  }
0x23: {  	s9 =	sor.u32 $0xD0000000, s2;
	s6 =	simm.s32 $0x108;
	_ =	swait.ge @!p0 [sflag:s8], $0x0  }
0x24: {  	s3 =	sadd.s32 $0x88, s3;
	s6 =	simm.s32 @!p1 $0x1082;
	[sflag:s4] =	ssyncset.s32 $0xFFFFF086  }
0x25: {  	[simem:s6], [sflag:s4] =	dma.local [hbm:s3], $0xF7A  }
0x26: {  	[smem:$0x3F97] =	sst s1;
	(tag) =	ssettag s2;
	_ =	strace s9  }
0x27: {  	s1 =	sld [smem:$0x3FA7]  }
0x28: {  	s2 =	sld [smem:$0x3FA8]  }
0x29: {  	s4 =	sld [smem:$0x3FAA]  }
0x2a: {  	p0 =	seq.s32 s5, $0x0;
	s5 =	sld [smem:$0x3FAB]  }
0x2b: {  	s6 =	sld [smem:$0x3FAC]  }
0x2c: {  	s7 =	sld [smem:$0x3FAD]  }
0x2d: {  	s3 =	simm.s32 $0x108;
	s8 =	sld [smem:$0x3FAE]  }
0x2e: {  	s3 =	simm.s32 @!p0 $0x1082;
	s9 =	sld [smem:$0x3FAF]  }
0x2f: {  	lr =	sadd.s32 s0, s3;
	s0 =	sld [smem:$0x3FA6]  }
0x30: {  	s3 =	sld [smem:$0x3FA9]  }
0x31: {  	[smem:$0x3FB2] =	sst s10  }
0x32: {  	s10 =	sld [smem:$0x3FB0];
	_ =	sdelay $0x3  }
0x33: {  	p0 =	seq.s32 s10, $0x1;
	s10 =	sld [smem:$0x3FB2];
	_ =	sdelay $0x3  }
0x34: {  	[smem:$0x3FB2] =	sst s10  }
0x35: {  	s10 =	sld [smem:$0x3FB1];
	_ =	sdelay $0x3  }
0x36: {  	p1 =	seq.s32 s10, $0x1;
	s10 =	sld [smem:$0x3FB2];
	_ =	sdelay $0x3  }
0x37: {  	[smem:$0x3FB2] =	sst s10  }
0x38: {  	s10 =	sld [smem:$0x3FB3]  }
0x39: {  	_ = 	snop;
	(pc) =	sbr.ind lr, $3  }
0x3a: {  	_ = 	snop  }
0x3b: {  	_ = 	snop  }
0x3c: {  	p2 =	seq.s32 s10, $0x1;
	s10 =	sld [smem:$0x3FB2]  }
0x3d: {  	_ =	shalt  }
0x3e: {  	_ =	shalt  }
0x3f: {  	_ =	shalt  }
0x40: {  	_ =	shalt  }
0x41: {  	_ =	shalt  }
0x42: {  	_ =	shalt  }
0x43: {  	_ =	shalt  }
0x44: {  	_ =	shalt  }
0x45: {  	_ =	shalt  }
0x46: {  	_ =	shalt  }
0x47: {  	_ =	shalt  }
0x48: {  	_ =	shalt  }
0x49: {  	_ =	shalt  }
0x4a: {  	_ =	shalt  }
0x4b: {  	_ =	shalt  }
0x4c: {  	_ =	shalt  }
0x4d: {  	_ =	shalt  }
0x4e: {  	_ =	shalt  }
0x4f: {  	_ =	shalt  }
0x50: {  	_ =	shalt  }
0x51: {  	_ =	shalt  }
0x52: {  	_ =	shalt  }
0x53: {  	_ =	shalt  }
0x54: {  	_ =	shalt  }
0x55: {  	_ =	shalt  }
0x56: {  	_ =	shalt  }
0x57: {  	_ =	shalt  }
0x58: {  	_ =	shalt  }
0x59: {  	_ =	shalt  }
0x5a: {  	_ =	shalt  }
0x5b: {  	_ =	shalt  }
0x5c: {  	_ =	shalt  }
0x5d: {  	_ =	shalt  }
0x5e: {  	_ =	shalt  }
0x5f: {  	_ =	shalt  }
0x60: {  	_ =	shalt  }
0x61: {  	_ =	shalt  }
0x62: {  	_ =	shalt  }
0x63: {  	_ =	shalt  }
0x64: {  	_ =	shalt  }
0x65: {  	_ =	shalt  }
0x66: {  	_ =	shalt  }
0x67: {  	_ =	shalt  }
0x68: {  	_ =	shalt  }
0x69: {  	_ =	shalt  }
0x6a: {  	_ =	shalt  }
0x6b: {  	_ =	shalt  }
0x6c: {  	_ =	shalt  }
0x6d: {  	_ =	shalt  }
0x6e: {  	_ =	shalt  }
0x6f: {  	_ =	shalt  }
0x70: {  	_ =	shalt  }
0x71: {  	_ =	shalt  }
0x72: {  	_ =	shalt  }
0x73: {  	_ =	shalt  }
0x74: {  	_ =	shalt  }
0x75: {  	_ =	shalt  }
0x76: {  	_ =	shalt  }
0x77: {  	_ =	shalt  }
0x78: {  	_ =	shalt  }
0x79: {  	_ =	shalt  }
0x7a: {  	_ =	shalt  }
0x7b: {  	_ =	shalt  }
0x7c: {  	_ =	shalt  }
0x7d: {  	_ =	shalt  }
0x7e: {  	_ =	shalt  }
0x7f: {  	_ =	shalt  }
0x80: {  	_ =	shalt  }
0x81: {  	_ =	shalt  }
0x82: {  	_ =	shalt  }
0x83: {  	_ =	shalt  }
0x84: {  	_ =	shalt  }
0x85: {  	_ =	shalt  }
0x86: {  	_ =	shalt  }
0x87: {  	_ =	shalt  }
.Lfunc_end0:
.L_simem_size_0:
called_computation.1_lowered:
.L_overlay_start_0:
0x88: {  	s2 =	sld [smem:$0x3FD9]  }
0x89: {  	s3 =	sld [smem:$0x3FFE];
	_ =	sdelay $0x1  }
0x8a: {  	s1 =	srdreg.scid  }
0x8b: {  	s0 =	sand.u32 $0x1, s1  }
0x8c: {  	s17 =	sshll.u32 s0, $0xA;
	s2 =	sadd.s32 s3, s2  }
0x8d: {  	s2 =	sadd.s32 s2, s17  }
0x8e: {  	[smem:$0x3FBE] =	sst s2  }
0x8f: {  	_ = 	snop  }
0x90: {  	s2 =	sld [smem:$0x3FD0];
	(tm) =	ssettm $0x1  }
0x91: {  	s18 =	sld [smem:$0x3FFB];
	_ =	sdelay $0x3  }
0x92: {  	_ =	strace s18  }
0x93: {  	s3 =	sld [smem:$0x3FFC];
	_ =	sdelay $0x3  }
0x94: {  	_ =	strace s3  }
0x95: {  	s3 =	sld [smem:$0x3FFD];
	_ =	sdelay $0x3  }
0x96: {  	_ =	strace s3  }
0x97: {  	_ =	strace $0x8FFFFFFF  }
0x98: {  	s19 =	sld [smem:$0x3FDB];
	_ =	sdelay $0x1  }
0x99: {  	s4 =	simm.s32 $_scs_section_size  }
0x9a: {  	s5 =	simm.s32 $_size__tile_overlayer_lowered;
	s6 =	simm.s32 $_tile_overlayer_lowered  }
0x9b: {  	s22 =	simm.s32 $0x1BFF;
	s21 =	sshll.u32 s6, $0x1;
	s3 =	sadd.s32 s4, s19  }
0x9c: {  	s7 =	simm.s32 $0x0;
	s20 =	sshll.u32 s5, $0x1;
	s5 =	sadd.s32 s21, s3  }
0x9d: {  	[timem:s7], [sflag:s22] =	dma.local [hbm:s5], s20  }
0x9e: {  	_ =	swait.ge [sflag:s22], s20  }
0x9f: {  	s4 =	ssub.s32 $0x0, s20;
	[sflag:s22] =	ssyncset.done $0x0  }
0xa0: {  	[sflag:s22] =	ssyncadd.s32 s4;
	_ =	sdelay $0x1  }
0xa1: {  	s23 =	simm.s32 $0x1B8B  }
0xa2: {  	_ =	swait.ge [sflag:s23], $0x1  }
0xa3: {  	[sflag:s23] =	ssyncset.done $0x0  }
0xa4: {  	s25 =	simm.s32 $0x1B8E;
	s24 =	sld [smem:$0x3FFE];
	[sflag:s23] =	ssyncadd.s32 $0xFFFFFFFF  }
0xa5: {  	s26 =	simm.s32 $execute0_lowered;
	[smem:$0x3FD2] =	sst s25  }
0xa6: {  	s5 =	sshll.u32 s26, $0x1;
	_ =	strace $0x80000049;
	[dreg:$0x1] =	wrdreg $0xFFFFFFFF  }
0xa7: {  	s28 =	simm.s32 $_size_execute0_lowered;
	s3 =	sadd.s32 s3, s5;
	[dreg:$0x0] =	wrdreg $0x0  }
0xa8: {  	s5 =	sshll.u32 s28, $0x1;
	[dreg:$0x2] =	wrdreg s3  }
0xa9: {  	[dreg:$0x3] =	wrdreg s5  }
0xaa: {  	[dreg:$0x4] =	wrdreg $0xC0  }
0xab: {  	_ =	task [dreg:s7], $0x5FFFF  }
0xac: {  	[dreg:$0x1] =	wrdreg $0xFFFFFFFF  }
0xad: {  	[dreg:$0x0] =	wrdreg $0x60  }
0xae: {  	[dreg:$0x2] =	wrdreg s2  }
0xaf: {  	[dreg:$0x3] =	wrdreg s24  }
0xb0: {  	[dreg:$0x4] =	wrdreg $0x41000  }
0xb1: {  	[dreg:$0x5] =	wrdreg $0x9  }
0xb2: {  	_ =	task.clear_ibuf [dreg:s7], $0x6FFFF;
	_ =	strace $0x90000049  }
0xb3: {  	s29 =	simm.s32 $0x9;
	_ =	strace $0x8000004B  }
0xb4: {  	_ =	swait.ge [sflag:s29], $0x1  }
0xb5: {  	[sflag:s29] =	ssyncadd.s32 $0xFFFFFFFF  }
0xb6: {  	_ =	strace $0x9000004B  }
0xb7: {  	_ =	sfence  }
0xb8: {  	s30 =	sld [smem:$0x0];
	_ =	sdelay $0x2  }
0xb9: {  	s31 =	sshll.u32 s1, $0xD;
	s1 =	sshrl.u32 s1, $0x2  }
0xba: {  	s3 =	sand.u32 $0x4000, s31;
	s1 =	sadd.s32 s1, s30  }
0xbb: {  	s0 =	sor.u32 s3, s0;
	s1 =	sshll.u32 s1, $0x11  }
0xbc: {  	s0 =	sor.u32 s1, s0  }
0xbd: {  	s0 =	sadd.s32 $0x8F2B, s0  }
0xbe: {  	[sflag:s0] =	ssyncadd.remote.s32 $0x1  }
0xbf: {  	_ =	sfence.sel $0xFFFF  }
0xc0: {  	[dreg:$0x0] =	wrdreg $0xFFFFFFFF;
	(pc) =	sbr.abs _section_cstart, $3  }
0xc1: {  	[dreg:$0x1] =	wrdreg $0xFFFFFFFF  }
0xc2: {  	_ =	task.clear_ibuf [dreg:s7], $0x2FFFF;
	_ =	strace $0x9FFFFFFF  }
0xc3: {  	(tm) =	ssettm $0x7FFFFFFF  }
tec
execute0_lowered:
.L_overlay_start_1:
0x0: {  	(tag) =	ssettag $0x1  }
0x1: {  	s0 =	rddreg [dreg:$0x0]  }
0x2: {  	s8 =	rddreg [dreg:$0x1]  }
0x3: {  	s1 =	srdreg.scid;
	s4 =	rddreg [dreg:$0x2]  }
0x4: {  	s2 =	rddreg [dreg:$0x3];
	s7 =	sand.u32 $0x1, s1  }
0x5: {  	s3 =	simm.s32 $0x5E;
	s1 =	stileid.u32;
	s9 =	smul.u32 $0x27800, s7  }
0x6: {  	s5 =	simm.s32 $0x0;
	p0 =	seq.s32 s7, $0x0;
	s11 =	smul.u32 $0x4F000, s1  }
0x7: {  	[smem:$0x7FF] =	sst s5;
	s13 =	smul.u32 $0xBC00, s7;
	s3 =	simm.s32 @!p0 $0x3F  }
0x8: {  	_ =	strace $0x8000004A;
	s28 =	ssub.s32 $0x2, s7;
	s6 =	smul.u32 s1, s3  }
0x9: {  	s29 =	sshll.u32 s1, $0x6;
	s30 =	smul.u32 $0x2780, s1;
	s12 =	sshrl.u32 s28, $0x1  }
0xa: {  	s7 =	sor.u32 $0x1C01, s29;
	s11 =	sshrl.u32 s11, $0x2;
	s6 =	sshll.u32 s6, $0x5  }
0xb: {  	s11 =	sadd.s32 s11, s4;
	s10 =	sadd.s32 s6, s8;
	s6 =	sadd.s32 $0x16400, s8  }
0xc: {  	s8 =	sadd.s32 s9, s8;
	s9 =	ssub.s32 s28, s12;
	s10 =	sadd.s32 s13, s10  }
0xd: {  	s31 =	sadd.s32 $0x18C00, s8;
	s8 =	smax.u32 s9, $0x1;
	s9 =	sadd.s32 $0x2A00, s10  }
0xe: {  	s10 =	sshrl.u32 s11, $0x3;
	s11 =	simm.s32 $0x1;
	s12 =	sadd.s32 s30, s31  }
.LBB2_1:
0xf: {  	[spmem:s10], [sflag:s7] =	dma.local [hbm:s6], $0x2780  }
0x10: {  	_ =	swait.ge [sflag:s11], $0x2780  }
0x11: {  	[sflag:s11] =	ssyncset.done $0x0  }
0x12: {  	p0 =	sle.u32 s3, $0x0;
	[sflag:s11] =	ssyncadd.s32 $0xFFFFD880  }
0x13: {  	s13 =	simm.s32 @!p0 $0x0;
	s14 =	simm.s32 @!p0 $0x2;
	[bflag:$0x0] =	sbarrier.arrive $0xFFFF  }
0x14: {  	[tilespmem:s13], [sflag:$0x2] =	stream.linear.gather @!p0 [hbm4b:s9+s13], $0x100, $0x38;
	[tilespmem:$0x17D00] =	vst v63  }
0x15: {  	_ =	swait.ge @!p0 [sflag:s14], $0x100  }
0x16: {  	[sflag:s14] =	ssyncset.done @!p0 $0x0;
	p0 =	por p0, p0  }
0x17: {  	[sflag:s14] =	ssyncadd.s32 @!p0 $0xFFFFFF00;
	s16 =	simm.s32 @!p0 $0x80;
	s17 =	simm.s32 @!p0 $0x100  }
0x18: {  	[tilespmem:s17], [sflag:$0x2] =	stream.indirect.gather @!p0 [hbm4b:s0+s16], $0x80, s13, s16, $0xb8;
	[tilespmem:$0x17D00] =	vst v63  }
0x19: {  	_ =	swait.ge @!p0 [sflag:s14], $0x4000  }
0x1a: {  	[sflag:s14] =	ssyncset.done @!p0 $0x0  }
0x1b: {  	s15 =	simm.s32 @!p0 $0x1;
	[sflag:s14] =	ssyncadd.s32 @!p0 $0xFFFFC000  }
0x1c: {  	[spmem:s4] =	stream.indirect.scatter.add.f32 @!p0 [tilespmem:s17], [sflag:$0x1], $0x80, s16, s16, $0xb8;
	[tilespmem:$0x17D00] =	vst v63  }
0x1d: {  	p1 =	sle.u32 s3, $0x1;
	_ =	swait.ge @!p0 [sflag:s15], $0x4000  }
0x1e: {  	s13 =	sadd.s32 $0x20, s9;
	s14 =	simm.s32 $0x2;
	[sflag:s15] =	ssyncset.done @!p0 $0x0  }
.LBB2_2:
0x1f: {  	s16 =	simm.s32 @!p1 $0x0;
	s17 =	simm.s32 @!p1 $0x2;
	[sflag:s15] =	ssyncadd.s32 @!p0 $0xFFFFC000  }
0x20: {  	[tilespmem:s16], [sflag:$0x2] =	stream.linear.gather @!p1 [hbm4b:s13+s16], $0x100, $0x38;
	[tilespmem:$0x17D00] =	vst v63  }
0x21: {  	s18 =	smov.u32 s14;
	s14 =	sadd.s32 $0x1, s14;
	_ =	swait.ge @!p1 [sflag:s17], $0x100  }
0x22: {  	p0 =	por p1, p1;
	p2 =	sne.s32 s14, $0x5E;
	[sflag:s17] =	ssyncset.done @!p1 $0x0  }
0x23: {  	s19 =	simm.s32 @!p0 $0x80;
	s20 =	simm.s32 @!p0 $0x100;
	[sflag:s17] =	ssyncadd.s32 @!p0 $0xFFFFFF00  }
0x24: {  	[tilespmem:s20], [sflag:$0x2] =	stream.indirect.gather @!p0 [hbm4b:s0+s19], $0x80, s16, s19, $0xb8;
	[tilespmem:$0x17D00] =	vst v63  }
0x25: {  	_ =	swait.ge @!p0 [sflag:s17], $0x4000  }
.Ltmp0:
0x26: {  	[sflag:s17] =	ssyncset.done @!p0 $0x0;
	(pc) =	sbr.rel @p2 .LBB2_2-.Ltmp0, $4  }
0x27: {  	s15 =	simm.s32 @!p0 $0x1;
	[sflag:s17] =	ssyncadd.s32 @!p0 $0xFFFFC000  }
0x28: {  	[spmem:s4] =	stream.indirect.scatter.add.f32 @!p0 [tilespmem:s20], [sflag:$0x1], $0x80, s19, s19, $0xb8;
	[tilespmem:$0x17D00] =	vst v63  }
0x29: {  	_ =	swait.ge @!p0 [sflag:s15], $0x4000  }
0x2a: {  	s13 =	sadd.s32 $0x20, s13;
	p1 =	sge.u32 s18, s3;
	[sflag:s15] =	ssyncset.done @!p0 $0x0  }
0x2b: {  	s14 =	simm.s32 @!p1 $0x0;
	s16 =	simm.s32 @!p1 $0x2;
	[sflag:s15] =	ssyncadd.s32 @!p0 $0xFFFFC000  }
0x2c: {  	[tilespmem:s14], [sflag:$0x2] =	stream.linear.gather @!p1 [hbm4b:s13+s14], $0x100, $0x38;
	[tilespmem:$0x17D00] =	vst v63  }
0x2d: {  	_ =	swait.ge @!p1 [sflag:s16], $0x100  }
0x2e: {  	p0 =	por p1, p1;
	[sflag:s16] =	ssyncset.done @!p1 $0x0  }
0x2f: {  	s13 =	simm.s32 @!p0 $0x80;
	s15 =	simm.s32 @!p0 $0x100;
	[sflag:s16] =	ssyncadd.s32 @!p0 $0xFFFFFF00  }
0x30: {  	[tilespmem:s15], [sflag:$0x2] =	stream.indirect.gather @!p0 [hbm4b:s0+s13], $0x80, s14, s13, $0xb8;
	[tilespmem:$0x17D00] =	vst v63  }
0x31: {  	_ =	swait.ge @!p0 [sflag:s16], $0x4000  }
0x32: {  	[sflag:s16] =	ssyncset.done @!p0 $0x0  }
0x33: {  	s14 =	simm.s32 @!p0 $0x1;
	[sflag:s16] =	ssyncadd.s32 @!p0 $0xFFFFC000  }
0x34: {  	[spmem:s4] =	stream.indirect.scatter.add.f32 @!p0 [tilespmem:s15], [sflag:$0x1], $0x80, s13, s13, $0xb8;
	[tilespmem:$0x17D00] =	vst v63  }
0x35: {  	_ =	swait.ge @!p0 [sflag:s14], $0x4000  }
0x36: {  	s5 =	sadd.s32 $0x1, s5;
	[sflag:s14] =	ssyncset.done @!p0 $0x0  }
0x37: {  	[sflag:s14] =	ssyncadd.s32 @!p0 $0xFFFFC000;
	p0 =	sne.s32 s5, s8  }
.Ltmp1:
0x38: {  	[bflag:$0x0] =	sbarrier.arrive $0xFFFF;
	(pc) =	sbr.rel @p0 .LBB2_1-.Ltmp1, $4  }
0x39: {  	[hbm:s12], [sflag:s7] =	dma.local [spmem:s10], $0x2780  }
0x3a: {  	_ =	swait.ge [sflag:s11], $0x2780  }
0x3b: {  	[sflag:s11] =	ssyncset.done $0x0  }
0x3c: {  	[sflag:s11] =	ssyncadd.s32 $0xFFFFD880  }
0x3d: {  	_ =	sfence.sel $0x180000  }
0x3e: {  	[bflag:$0x0] =	sbarrier.arrive $0xFFFF  }
0x3f: {  	p0 =	sne.s32 s1, $0x0;
	_ =	strace $0x9000004A  }
0x40: {  	s0 =	sadd.s32 @!p0 $0x100000, s2;
	[bflag:$0x2] =	sbarrier.arrive $0xFFFF  }
0x41: {  	[sflag:s0] =	ssyncadd.tile.s32 @!p0 $0x1;
	_ =	shalt  }
.Lfunc_end2:
_tile_overlayer_lowered:
.L_overlay_start_2:
0x42: {  	(tag) =	ssettag $0x2  }
0x43: {  	s0 =	rddreg [dreg:$0x0];
	s2 =	stileid.u32  }
0x44: {  	s1 =	rddreg [dreg:$0x1];
	p0 =	sne.s32 s2, $0x0  }
0x45: {  	s3 =	rddreg [dreg:$0x2];
	[bflag:$0x3] =	sbarrier.arrive $0xFFFF;
	s2 =	simm.s32 @!p0 $0x1C01  }
0x46: {  	[timem:s3], [sflag:s2] =	dma.local @!p0 [hbm:s0], s1  }
0x47: {  	s0 =	simm.s32 @!p0 $0x1  }
0x48: {  	_ =	swait.ge @!p0 [sflag:s0], s1  }
0x49: {  	s1 =	ssub.s32 @!p0 $0x0, s1;
	[sflag:s0] =	ssyncset.done @!p0 $0x0  }
0x4a: {  	[sflag:s0] =	ssyncadd.s32 @!p0 s1  }
0x4b: {  	[bflag:$0x3] =	sbarrier.arrive $0xFFFF  }
0x4c: {  	_ =	shalt  }

// kernel: kernel.7.cloned.1.call-start
scs
__scs_entry_jumppad:
0x0: {  	(pc) =	sbr.rel $0x88, $3  }
0x1: {  	(tag) =	ssettag $0x0;
	lr =	simm.s32 $0x1  }
0x2: {  	[smem:$0x3F97] =	sst lr;
	_ =	strace $0xD0000000  }
0x3: {  	_ = 	snop  }
0x4: {  	_ = 	snop  }
0x5: {  	_ = 	snop  }
0x6: {  	_ = 	snop  }
0x7: {  	_ = 	snop  }
__scs_overlays_trampoline_lowered:
0x8: {  	[smem:$0x3FA6] =	sst s0  }
0x9: {  	[smem:$0x3FA7] =	sst s1  }
0xa: {  	[smem:$0x3FA8] =	sst s2  }
0xb: {  	[smem:$0x3FA9] =	sst s3  }
0xc: {  	[smem:$0x3FAA] =	sst s4  }
0xd: {  	[smem:$0x3FAB] =	sst s5  }
0xe: {  	[smem:$0x3FAC] =	sst s6  }
0xf: {  	[smem:$0x3FAD] =	sst s7  }
0x10: {  	[smem:$0x3FAE] =	sst s8  }
0x11: {  	[smem:$0x3FAF] =	sst s9;
	s0 =	simm.s32 @!p0 $0x0  }
0x12: {  	s1 =	sld [smem:$0x3F95];
	s0 =	simm.s32 @p0 $0x1  }
0x13: {  	[smem:$0x3FB0] =	sst s0;
	s0 =	simm.s32 @!p1 $0x0  }
0x14: {  	s2 =	sld [smem:$0x3F94];
	s0 =	simm.s32 @p1 $0x1  }
0x15: {  	[smem:$0x3FB1] =	sst s0;
	s0 =	simm.s32 @!p2 $0x0  }
0x16: {  	s3 =	sld [smem:$0x3FDB];
	s0 =	simm.s32 @p2 $0x1  }
0x17: {  	s4 =	simm.s32 $0x1BF5;
	[smem:$0x3FB3] =	sst s0  }
0x18: {  	s0 =	sld [smem:$0x3F96];
	_ =	swait.ge [sflag:s4], $0x0  }
0x19: {  	s7 =	sld [smem:$0x3F97]  }
0x1a: {  	s8 =	sadd.s32 $0xFFFFE003, lr  }
0x1b: {  	s9 =	sadd.s32 $0xFFFFFEF7, lr;
	s5 =	simm.s32 $0xFFFFFFFF;
	p2 =	slt.u32 s8, $0xFFFFF086  }
0x1c: {  	p1 =	slt.u32 s9, $0xF7A;
	s5 =	simm.s32 @!p2 $0x0  }
0x1d: {  	s5 =	simm.s32 @p1 $0x1;
	p0 =	seq.s32 s7, s2  }
0x1e: {  	s7 =	smul.u32 @!p0 $0xF7A, s2;
	p2 =	seq.s32 @!p0 s5, $0x0  }
0x1f: {  	s9 =	smul.u32 $0xF7A, s1;
	s8 =	simm.s32 @!p0 $0x1BF5;
	p2 =	por !p2, p0  }
0x20: {  	[sflag:s8] =	ssyncset.s32 @!p0 $0xFFFFF086;
	s6 =	sadd.s32 @!p0 s3, s7;
	s7 =	simm.s32 @!p0 $0x108  }
0x21: {  	s3 =	sadd.s32 s3, s9;
	s6 =	sadd.s32 @!p0 $0x88, s6;
	s7 =	simm.s32 @p2 $0x1082  }
0x22: {  	[simem:s7], [sflag:s8] =	dma.local @!p0 [hbm:s6], $0xF7A  }
0x23: {  	s9 =	sor.u32 $0xD0000000, s2;
	s6 =	simm.s32 $0x108;
	_ =	swait.ge @!p0 [sflag:s8], $0x0  }
0x24: {  	s3 =	sadd.s32 $0x88, s3;
	s6 =	simm.s32 @!p1 $0x1082;
	[sflag:s4] =	ssyncset.s32 $0xFFFFF086  }
0x25: {  	[simem:s6], [sflag:s4] =	dma.local [hbm:s3], $0xF7A  }
0x26: {  	[smem:$0x3F97] =	sst s1;
	(tag) =	ssettag s2;
	_ =	strace s9  }
0x27: {  	s1 =	sld [smem:$0x3FA7]  }
0x28: {  	s2 =	sld [smem:$0x3FA8]  }
0x29: {  	s4 =	sld [smem:$0x3FAA]  }
0x2a: {  	p0 =	seq.s32 s5, $0x0;
	s5 =	sld [smem:$0x3FAB]  }
0x2b: {  	s6 =	sld [smem:$0x3FAC]  }
0x2c: {  	s7 =	sld [smem:$0x3FAD]  }
0x2d: {  	s3 =	simm.s32 $0x108;
	s8 =	sld [smem:$0x3FAE]  }
0x2e: {  	s3 =	simm.s32 @!p0 $0x1082;
	s9 =	sld [smem:$0x3FAF]  }
0x2f: {  	lr =	sadd.s32 s0, s3;
	s0 =	sld [smem:$0x3FA6]  }
0x30: {  	s3 =	sld [smem:$0x3FA9]  }
0x31: {  	[smem:$0x3FB2] =	sst s10  }
0x32: {  	s10 =	sld [smem:$0x3FB0];
	_ =	sdelay $0x3  }
0x33: {  	p0 =	seq.s32 s10, $0x1;
	s10 =	sld [smem:$0x3FB2];
	_ =	sdelay $0x3  }
0x34: {  	[smem:$0x3FB2] =	sst s10  }
0x35: {  	s10 =	sld [smem:$0x3FB1];
	_ =	sdelay $0x3  }
0x36: {  	p1 =	seq.s32 s10, $0x1;
	s10 =	sld [smem:$0x3FB2];
	_ =	sdelay $0x3  }
0x37: {  	[smem:$0x3FB2] =	sst s10  }
0x38: {  	s10 =	sld [smem:$0x3FB3]  }
0x39: {  	_ = 	snop;
	(pc) =	sbr.ind lr, $3  }
0x3a: {  	_ = 	snop  }
0x3b: {  	_ = 	snop  }
0x3c: {  	p2 =	seq.s32 s10, $0x1;
	s10 =	sld [smem:$0x3FB2]  }
0x3d: {  	_ =	shalt  }
0x3e: {  	_ =	shalt  }
0x3f: {  	_ =	shalt  }
0x40: {  	_ =	shalt  }
0x41: {  	_ =	shalt  }
0x42: {  	_ =	shalt  }
0x43: {  	_ =	shalt  }
0x44: {  	_ =	shalt  }
0x45: {  	_ =	shalt  }
0x46: {  	_ =	shalt  }
0x47: {  	_ =	shalt  }
0x48: {  	_ =	shalt  }
0x49: {  	_ =	shalt  }
0x4a: {  	_ =	shalt  }
0x4b: {  	_ =	shalt  }
0x4c: {  	_ =	shalt  }
0x4d: {  	_ =	shalt  }
0x4e: {  	_ =	shalt  }
0x4f: {  	_ =	shalt  }
0x50: {  	_ =	shalt  }
0x51: {  	_ =	shalt  }
0x52: {  	_ =	shalt  }
0x53: {  	_ =	shalt  }
0x54: {  	_ =	shalt  }
0x55: {  	_ =	shalt  }
0x56: {  	_ =	shalt  }
0x57: {  	_ =	shalt  }
0x58: {  	_ =	shalt  }
0x59: {  	_ =	shalt  }
0x5a: {  	_ =	shalt  }
0x5b: {  	_ =	shalt  }
0x5c: {  	_ =	shalt  }
0x5d: {  	_ =	shalt  }
0x5e: {  	_ =	shalt  }
0x5f: {  	_ =	shalt  }
0x60: {  	_ =	shalt  }
0x61: {  	_ =	shalt  }
0x62: {  	_ =	shalt  }
0x63: {  	_ =	shalt  }
0x64: {  	_ =	shalt  }
0x65: {  	_ =	shalt  }
0x66: {  	_ =	shalt  }
0x67: {  	_ =	shalt  }
0x68: {  	_ =	shalt  }
0x69: {  	_ =	shalt  }
0x6a: {  	_ =	shalt  }
0x6b: {  	_ =	shalt  }
0x6c: {  	_ =	shalt  }
0x6d: {  	_ =	shalt  }
0x6e: {  	_ =	shalt  }
0x6f: {  	_ =	shalt  }
0x70: {  	_ =	shalt  }
0x71: {  	_ =	shalt  }
0x72: {  	_ =	shalt  }
0x73: {  	_ =	shalt  }
0x74: {  	_ =	shalt  }
0x75: {  	_ =	shalt  }
0x76: {  	_ =	shalt  }
0x77: {  	_ =	shalt  }
0x78: {  	_ =	shalt  }
0x79: {  	_ =	shalt  }
0x7a: {  	_ =	shalt  }
0x7b: {  	_ =	shalt  }
0x7c: {  	_ =	shalt  }
0x7d: {  	_ =	shalt  }
0x7e: {  	_ =	shalt  }
0x7f: {  	_ =	shalt  }
0x80: {  	_ =	shalt  }
0x81: {  	_ =	shalt  }
0x82: {  	_ =	shalt  }
0x83: {  	_ =	shalt  }
0x84: {  	_ =	shalt  }
0x85: {  	_ =	shalt  }
0x86: {  	_ =	shalt  }
0x87: {  	_ =	shalt  }
.Lfunc_end0:
.L_simem_size_0:
called_computation_lowered:
.L_overlay_start_0:
0x88: {  	s2 =	sld [smem:$0x3FD9]  }
0x89: {  	s3 =	sld [smem:$0x3FFE];
	_ =	sdelay $0x1  }
0x8a: {  	s1 =	srdreg.scid  }
0x8b: {  	s0 =	sand.u32 $0x1, s1  }
0x8c: {  	s17 =	sshll.u32 s0, $0xA;
	s2 =	sadd.s32 s3, s2  }
0x8d: {  	s2 =	sadd.s32 s2, s17  }
0x8e: {  	[smem:$0x3FBE] =	sst s2  }
0x8f: {  	_ = 	snop  }
0x90: {  	s2 =	sld [smem:$0x3FD0];
	(tm) =	ssettm $0x1  }
0x91: {  	s18 =	sld [smem:$0x3FFB];
	_ =	sdelay $0x3  }
0x92: {  	_ =	strace s18  }
0x93: {  	s3 =	sld [smem:$0x3FFC];
	_ =	sdelay $0x3  }
0x94: {  	_ =	strace s3  }
0x95: {  	s3 =	sld [smem:$0x3FFD];
	_ =	sdelay $0x3  }
0x96: {  	_ =	strace s3  }
0x97: {  	_ =	strace $0x8FFFFFFF  }
0x98: {  	s19 =	sld [smem:$0x3FDB];
	_ =	sdelay $0x1  }
0x99: {  	s4 =	simm.s32 $_scs_section_size  }
0x9a: {  	s5 =	simm.s32 $_size__tile_overlayer_lowered;
	s6 =	simm.s32 $_tile_overlayer_lowered  }
0x9b: {  	s22 =	simm.s32 $0x1BFF;
	s21 =	sshll.u32 s6, $0x1;
	s3 =	sadd.s32 s4, s19  }
0x9c: {  	s7 =	simm.s32 $0x0;
	s20 =	sshll.u32 s5, $0x1;
	s5 =	sadd.s32 s21, s3  }
0x9d: {  	[timem:s7], [sflag:s22] =	dma.local [hbm:s5], s20  }
0x9e: {  	_ =	swait.ge [sflag:s22], s20  }
0x9f: {  	s4 =	ssub.s32 $0x0, s20;
	[sflag:s22] =	ssyncset.done $0x0  }
0xa0: {  	[sflag:s22] =	ssyncadd.s32 s4;
	_ =	sdelay $0x1  }
0xa1: {  	s23 =	simm.s32 $0x1B8B  }
0xa2: {  	_ =	swait.ge [sflag:s23], $0x1  }
0xa3: {  	[sflag:s23] =	ssyncset.done $0x0  }
0xa4: {  	s25 =	simm.s32 $0x1B8E;
	s24 =	sld [smem:$0x3FFE];
	[sflag:s23] =	ssyncadd.s32 $0xFFFFFFFF  }
0xa5: {  	s26 =	simm.s32 $execute0_lowered;
	[smem:$0x3FD2] =	sst s25  }
0xa6: {  	s5 =	sshll.u32 s26, $0x1;
	_ =	strace $0x80000046;
	[dreg:$0x1] =	wrdreg $0xFFFFFFFF  }
0xa7: {  	s28 =	simm.s32 $_size_execute0_lowered;
	s3 =	sadd.s32 s3, s5;
	[dreg:$0x0] =	wrdreg $0x0  }
0xa8: {  	s5 =	sshll.u32 s28, $0x1;
	[dreg:$0x2] =	wrdreg s3  }
0xa9: {  	[dreg:$0x3] =	wrdreg s5  }
0xaa: {  	[dreg:$0x4] =	wrdreg $0xC0  }
0xab: {  	_ =	task [dreg:s7], $0x5FFFF  }
0xac: {  	[dreg:$0x1] =	wrdreg $0xFFFFFFFF  }
0xad: {  	[dreg:$0x0] =	wrdreg $0x60  }
0xae: {  	[dreg:$0x2] =	wrdreg s2  }
0xaf: {  	[dreg:$0x3] =	wrdreg s24  }
0xb0: {  	[dreg:$0x4] =	wrdreg $0x41000  }
0xb1: {  	[dreg:$0x5] =	wrdreg $0x9  }
0xb2: {  	_ =	task.clear_ibuf [dreg:s7], $0x6FFFF;
	_ =	strace $0x90000046  }
0xb3: {  	s29 =	simm.s32 $0x9;
	_ =	strace $0x80000048  }
0xb4: {  	_ =	swait.ge [sflag:s29], $0x1  }
0xb5: {  	[sflag:s29] =	ssyncadd.s32 $0xFFFFFFFF  }
0xb6: {  	_ =	strace $0x90000048  }
0xb7: {  	_ =	sfence  }
0xb8: {  	s30 =	sld [smem:$0x0];
	_ =	sdelay $0x2  }
0xb9: {  	s31 =	sshll.u32 s1, $0xD;
	s1 =	sshrl.u32 s1, $0x2  }
0xba: {  	s3 =	sand.u32 $0x4000, s31;
	s1 =	sadd.s32 s1, s30  }
0xbb: {  	s0 =	sor.u32 s3, s0;
	s1 =	sshll.u32 s1, $0x11  }
0xbc: {  	s0 =	sor.u32 s1, s0  }
0xbd: {  	s0 =	sadd.s32 $0x8F2B, s0  }
0xbe: {  	[sflag:s0] =	ssyncadd.remote.s32 $0x1  }
0xbf: {  	_ =	sfence.sel $0xFFFF  }
0xc0: {  	[dreg:$0x0] =	wrdreg $0xFFFFFFFF;
	(pc) =	sbr.abs _section_cstart, $3  }
0xc1: {  	[dreg:$0x1] =	wrdreg $0xFFFFFFFF  }
0xc2: {  	_ =	task.clear_ibuf [dreg:s7], $0x2FFFF;
	_ =	strace $0x9FFFFFFF  }
0xc3: {  	(tm) =	ssettm $0x7FFFFFFF  }
tec
execute0_lowered:
.L_overlay_start_1:
0x0: {  	(tag) =	ssettag $0x1  }
0x1: {  	s0 =	rddreg [dreg:$0x0]  }
0x2: {  	s8 =	rddreg [dreg:$0x1]  }
0x3: {  	s1 =	srdreg.scid;
	s4 =	rddreg [dreg:$0x2]  }
0x4: {  	s2 =	rddreg [dreg:$0x3];
	s7 =	sand.u32 $0x1, s1  }
0x5: {  	s3 =	simm.s32 $0x5E;
	s1 =	stileid.u32;
	s9 =	smul.u32 $0x27800, s7  }
0x6: {  	s5 =	simm.s32 $0x0;
	p0 =	seq.s32 s7, $0x0;
	s11 =	smul.u32 $0x4F000, s1  }
0x7: {  	[smem:$0x7FF] =	sst s5;
	s13 =	smul.u32 $0xBC00, s7;
	s3 =	simm.s32 @!p0 $0x3F  }
0x8: {  	_ =	strace $0x80000047;
	s28 =	ssub.s32 $0x2, s7;
	s6 =	smul.u32 s1, s3  }
0x9: {  	s29 =	sshll.u32 s1, $0x6;
	s30 =	smul.u32 $0x2780, s1;
	s12 =	sshrl.u32 s28, $0x1  }
0xa: {  	s7 =	sor.u32 $0x1C01, s29;
	s11 =	sshrl.u32 s11, $0x2;
	s6 =	sshll.u32 s6, $0x5  }
0xb: {  	s11 =	sadd.s32 s11, s4;
	s10 =	sadd.s32 s6, s8;
	s6 =	sadd.s32 $0x16400, s8  }
0xc: {  	s8 =	sadd.s32 s9, s8;
	s9 =	ssub.s32 s28, s12;
	s10 =	sadd.s32 s13, s10  }
0xd: {  	s31 =	sadd.s32 $0x18C00, s8;
	s8 =	smax.u32 s9, $0x1;
	s9 =	sadd.s32 $0x2A00, s10  }
0xe: {  	s10 =	sshrl.u32 s11, $0x3;
	s11 =	simm.s32 $0x1;
	s12 =	sadd.s32 s30, s31  }
.LBB2_1:
0xf: {  	[spmem:s10], [sflag:s7] =	dma.local [hbm:s6], $0x2780  }
0x10: {  	_ =	swait.ge [sflag:s11], $0x2780  }
0x11: {  	[sflag:s11] =	ssyncset.done $0x0  }
0x12: {  	p0 =	sle.u32 s3, $0x0;
	[sflag:s11] =	ssyncadd.s32 $0xFFFFD880  }
0x13: {  	s13 =	simm.s32 @!p0 $0x0;
	s14 =	simm.s32 @!p0 $0x2;
	[bflag:$0x0] =	sbarrier.arrive $0xFFFF  }
0x14: {  	[tilespmem:s13], [sflag:$0x2] =	stream.linear.gather @!p0 [hbm4b:s9+s13], $0x100, $0x38;
	[tilespmem:$0x17D00] =	vst v63  }
0x15: {  	_ =	swait.ge @!p0 [sflag:s14], $0x100  }
0x16: {  	[sflag:s14] =	ssyncset.done @!p0 $0x0;
	p0 =	por p0, p0  }
0x17: {  	[sflag:s14] =	ssyncadd.s32 @!p0 $0xFFFFFF00;
	s16 =	simm.s32 @!p0 $0x80;
	s17 =	simm.s32 @!p0 $0x100  }
0x18: {  	[tilespmem:s17], [sflag:$0x2] =	stream.indirect.gather @!p0 [hbm4b:s0+s16], $0x80, s13, s16, $0xb8;
	[tilespmem:$0x17D00] =	vst v63  }
0x19: {  	_ =	swait.ge @!p0 [sflag:s14], $0x4000  }
0x1a: {  	[sflag:s14] =	ssyncset.done @!p0 $0x0  }
0x1b: {  	s15 =	simm.s32 @!p0 $0x1;
	[sflag:s14] =	ssyncadd.s32 @!p0 $0xFFFFC000  }
0x1c: {  	[spmem:s4] =	stream.indirect.scatter.add.f32 @!p0 [tilespmem:s17], [sflag:$0x1], $0x80, s16, s16, $0xb8;
	[tilespmem:$0x17D00] =	vst v63  }
0x1d: {  	p1 =	sle.u32 s3, $0x1;
	_ =	swait.ge @!p0 [sflag:s15], $0x4000  }
0x1e: {  	s13 =	sadd.s32 $0x20, s9;
	s14 =	simm.s32 $0x2;
	[sflag:s15] =	ssyncset.done @!p0 $0x0  }
.LBB2_2:
0x1f: {  	s16 =	simm.s32 @!p1 $0x0;
	s17 =	simm.s32 @!p1 $0x2;
	[sflag:s15] =	ssyncadd.s32 @!p0 $0xFFFFC000  }
0x20: {  	[tilespmem:s16], [sflag:$0x2] =	stream.linear.gather @!p1 [hbm4b:s13+s16], $0x100, $0x38;
	[tilespmem:$0x17D00] =	vst v63  }
0x21: {  	s18 =	smov.u32 s14;
	s14 =	sadd.s32 $0x1, s14;
	_ =	swait.ge @!p1 [sflag:s17], $0x100  }
0x22: {  	p0 =	por p1, p1;
	p2 =	sne.s32 s14, $0x5E;
	[sflag:s17] =	ssyncset.done @!p1 $0x0  }
0x23: {  	s19 =	simm.s32 @!p0 $0x80;
	s20 =	simm.s32 @!p0 $0x100;
	[sflag:s17] =	ssyncadd.s32 @!p0 $0xFFFFFF00  }
0x24: {  	[tilespmem:s20], [sflag:$0x2] =	stream.indirect.gather @!p0 [hbm4b:s0+s19], $0x80, s16, s19, $0xb8;
	[tilespmem:$0x17D00] =	vst v63  }
0x25: {  	_ =	swait.ge @!p0 [sflag:s17], $0x4000  }
.Ltmp0:
0x26: {  	[sflag:s17] =	ssyncset.done @!p0 $0x0;
	(pc) =	sbr.rel @p2 .LBB2_2-.Ltmp0, $4  }
0x27: {  	s15 =	simm.s32 @!p0 $0x1;
	[sflag:s17] =	ssyncadd.s32 @!p0 $0xFFFFC000  }
0x28: {  	[spmem:s4] =	stream.indirect.scatter.add.f32 @!p0 [tilespmem:s20], [sflag:$0x1], $0x80, s19, s19, $0xb8;
	[tilespmem:$0x17D00] =	vst v63  }
0x29: {  	_ =	swait.ge @!p0 [sflag:s15], $0x4000  }
0x2a: {  	s13 =	sadd.s32 $0x20, s13;
	p1 =	sge.u32 s18, s3;
	[sflag:s15] =	ssyncset.done @!p0 $0x0  }
0x2b: {  	s14 =	simm.s32 @!p1 $0x0;
	s16 =	simm.s32 @!p1 $0x2;
	[sflag:s15] =	ssyncadd.s32 @!p0 $0xFFFFC000  }
0x2c: {  	[tilespmem:s14], [sflag:$0x2] =	stream.linear.gather @!p1 [hbm4b:s13+s14], $0x100, $0x38;
	[tilespmem:$0x17D00] =	vst v63  }
0x2d: {  	_ =	swait.ge @!p1 [sflag:s16], $0x100  }
0x2e: {  	p0 =	por p1, p1;
	[sflag:s16] =	ssyncset.done @!p1 $0x0  }
0x2f: {  	s13 =	simm.s32 @!p0 $0x80;
	s15 =	simm.s32 @!p0 $0x100;
	[sflag:s16] =	ssyncadd.s32 @!p0 $0xFFFFFF00  }
0x30: {  	[tilespmem:s15], [sflag:$0x2] =	stream.indirect.gather @!p0 [hbm4b:s0+s13], $0x80, s14, s13, $0xb8;
	[tilespmem:$0x17D00] =	vst v63  }
0x31: {  	_ =	swait.ge @!p0 [sflag:s16], $0x4000  }
0x32: {  	[sflag:s16] =	ssyncset.done @!p0 $0x0  }
0x33: {  	s14 =	simm.s32 @!p0 $0x1;
	[sflag:s16] =	ssyncadd.s32 @!p0 $0xFFFFC000  }
0x34: {  	[spmem:s4] =	stream.indirect.scatter.add.f32 @!p0 [tilespmem:s15], [sflag:$0x1], $0x80, s13, s13, $0xb8;
	[tilespmem:$0x17D00] =	vst v63  }
0x35: {  	_ =	swait.ge @!p0 [sflag:s14], $0x4000  }
0x36: {  	s5 =	sadd.s32 $0x1, s5;
	[sflag:s14] =	ssyncset.done @!p0 $0x0  }
0x37: {  	[sflag:s14] =	ssyncadd.s32 @!p0 $0xFFFFC000;
	p0 =	sne.s32 s5, s8  }
.Ltmp1:
0x38: {  	[bflag:$0x0] =	sbarrier.arrive $0xFFFF;
	(pc) =	sbr.rel @p0 .LBB2_1-.Ltmp1, $4  }
0x39: {  	[hbm:s12], [sflag:s7] =	dma.local [spmem:s10], $0x2780  }
0x3a: {  	_ =	swait.ge [sflag:s11], $0x2780  }
0x3b: {  	[sflag:s11] =	ssyncset.done $0x0  }
0x3c: {  	[sflag:s11] =	ssyncadd.s32 $0xFFFFD880  }
0x3d: {  	_ =	sfence.sel $0x180000  }
0x3e: {  	[bflag:$0x0] =	sbarrier.arrive $0xFFFF  }
0x3f: {  	p0 =	sne.s32 s1, $0x0;
	_ =	strace $0x90000047  }
0x40: {  	s0 =	sadd.s32 @!p0 $0x100000, s2;
	[bflag:$0x2] =	sbarrier.arrive $0xFFFF  }
0x41: {  	[sflag:s0] =	ssyncadd.tile.s32 @!p0 $0x1;
	_ =	shalt  }
.Lfunc_end2:
_tile_overlayer_lowered:
.L_overlay_start_2:
0x42: {  	(tag) =	ssettag $0x2  }
0x43: {  	s0 =	rddreg [dreg:$0x0];
	s2 =	stileid.u32  }
0x44: {  	s1 =	rddreg [dreg:$0x1];
	p0 =	sne.s32 s2, $0x0  }
0x45: {  	s3 =	rddreg [dreg:$0x2];
	[bflag:$0x3] =	sbarrier.arrive $0xFFFF;
	s2 =	simm.s32 @!p0 $0x1C01  }
0x46: {  	[timem:s3], [sflag:s2] =	dma.local @!p0 [hbm:s0], s1  }
0x47: {  	s0 =	simm.s32 @!p0 $0x1  }
0x48: {  	_ =	swait.ge @!p0 [sflag:s0], s1  }
0x49: {  	s1 =	ssub.s32 @!p0 $0x0, s1;
	[sflag:s0] =	ssyncset.done @!p0 $0x0  }
0x4a: {  	[sflag:s0] =	ssyncadd.s32 @!p0 s1  }
0x4b: {  	[bflag:$0x3] =	sbarrier.arrive $0xFFFF  }
0x4c: {  	_ =	shalt  }

</sc_bundles>
